<compile_context>
chip_gen: v7x
topology: tpu7x:2x2x1
jax: 0.10.2.dev20260603
libtpu: 0.0.44.dev20260713+nightly
codegen_flags: <defaults>
</compile_context>

<pallas_src>
import jax
import jax.numpy as jnp
from jax import lax
from jax.experimental import pallas as pl
from jax.experimental.pallas import tpu as pltpu
from jax.experimental.pallas import tpu_sc as plsc

B, T, F = 16, 2048, 128
M = 4
LAMBDA_MIN, LAMBDA_MAX = 0.1, 0.4

NC, NS = 2, 16
HALF = T // NC
C = 64
NCHUNK = HALF // C
GRP = F // 16
L = 16


def _sc_body(inp_hbm, maskx_hbm, cache_hbm, meta_hbm, out_hbm,
             meta_v, maskx_v, inp_v, win_v, out_v, in_sem, out_sem):
    c = lax.axis_index("c")
    s = lax.axis_index("s")
    b = s
    t_base = c * HALF

    pltpu.sync_copy(meta_hbm.at[0, b], meta_v.at[0])
    pltpu.sync_copy(meta_hbm.at[1, b], meta_v.at[1])
    scrow = meta_v[0, :]
    srow = meta_v[1, :].astype(jnp.int32)
    starts = [srow[m] for m in range(M)]
    shifts = [lax.bitwise_and(starts[m], 7) for m in range(M)]
    bases = [starts[m] - shifts[m] for m in range(M)]
    svecs = [jnp.full((L,), scrow[m], jnp.float32) for m in range(M)]

    def in_copies(k, sl):
        t0 = t_base + k * C
        cps = [
            pltpu.make_async_copy(inp_hbm.at[b, pl.ds(t0, C)], inp_v.at[sl],
                                  in_sem.at[sl]),
            pltpu.make_async_copy(maskx_hbm.at[b, pl.ds(t0, C)],
                                  maskx_v.at[sl], in_sem.at[sl]),
        ]
        for m in range(M):
            off = pl.multiple_of(bases[m] + t0, 8)
            cps.append(pltpu.make_async_copy(
                cache_hbm.at[pl.ds(off, C + 8)], win_v.at[sl, m],
                in_sem.at[sl]))
        return cps

    def out_copy(k, sl):
        t0 = t_base + k * C
        return pltpu.make_async_copy(out_v.at[sl], out_hbm.at[b, pl.ds(t0, C)],
                                     out_sem.at[sl])

    for cp in in_copies(0, 0):
        cp.start()
    for cp in in_copies(1, 1):
        cp.start()

    def chunk_body(k, carry):
        sl = lax.rem(k, 2)
        for cp in in_copies(k, sl):
            cp.wait()
        @pl.when(k >= 2)
        def _():
            out_copy(k - 2, sl).wait()

        @plsc.parallel_loop(0, C, 1, unroll=8)
        def row_body(r):
            mv = maskx_v[sl, r, :]
            sm = [svecs[m] * mv for m in range(M)]
            rws = [r + shifts[m] for m in range(M)]
            for g in range(GRP):
                cols = pl.ds(g * L, L)
                a0 = sm[0] * win_v[sl, 0, rws[0], cols]
                a1 = sm[1] * win_v[sl, 1, rws[1], cols]
                a2 = sm[2] * win_v[sl, 2, rws[2], cols]
                a3 = sm[3] * win_v[sl, 3, rws[3], cols]
                out_v[sl, r, cols] = inp_v[sl, r, cols] + ((a0 + a1) + (a2 + a3))

        out_copy(k, sl).start()
        @pl.when(k + 2 < NCHUNK)
        def _():
            for cp in in_copies(k + 2, sl):
                cp.start()
        return carry

    lax.fori_loop(0, NCHUNK, chunk_body, 0)
    out_copy(NCHUNK - 2, (NCHUNK - 2) % 2).wait()
    out_copy(NCHUNK - 1, (NCHUNK - 1) % 2).wait()


@jax.jit
def kernel(input, sequence_mask, cache, start_indices, lam_u, scale_u):
    lambda_ = LAMBDA_MIN + lam_u.astype(jnp.float32) * (LAMBDA_MAX - LAMBDA_MIN)
    ms = 0.001 + scale_u.astype(jnp.float32) * (1.0 - 0.001)
    scales = ms * lambda_ / jnp.sum(ms, axis=1, keepdims=True)
    meta = jnp.zeros((2, B, L), jnp.float32)
    meta = meta.at[0, :, :M].set(scales)
    meta = meta.at[1, :, :M].set(start_indices.astype(jnp.float32))
    maskx = jnp.broadcast_to(
        sequence_mask.astype(jnp.float32)[:, :, None], (B, T, L))

    sc_fn = pl.kernel(
        _sc_body,
        out_type=jax.ShapeDtypeStruct((B, T, F), jnp.float32),
        mesh=plsc.VectorSubcoreMesh(core_axis_name="c", subcore_axis_name="s"),
        scratch_types=[
            pltpu.VMEM((2, L), jnp.float32),
            pltpu.VMEM((2, C, L), jnp.float32),
            pltpu.VMEM((2, C, F), jnp.float32),
            pltpu.VMEM((2, M, C + 8, F), jnp.float32),
            pltpu.VMEM((2, C, F), jnp.float32),
            pltpu.SemaphoreType.DMA((2,)),
            pltpu.SemaphoreType.DMA((2,)),
        ],
    )
    return sc_fn(input.astype(jnp.float32), maskx, cache.astype(jnp.float32),
                 meta)

# --- scband reference (transcript-rebuilt; emitter-appended) ---
"""Pipeline reference for scband-mixup-21689584845010 (READ-ONLY COPY).

The authoritative reference and input builder live on the scoring server;
editing this copy changes nothing except your own understanding.
"""

import jax, jax.numpy as jnp
import numpy as np

B, T, F = 16, 2048, 128
BUFFER_SIZE = 200000
MAX_NUM_MIX = 4
LAMBDA_MIN, LAMBDA_MAX = 0.1, 0.4


def setup_inputs(seed: int = 0) -> dict:
    key = jax.random.key(seed)
    k0, k1, k2, k3, k4 = jax.random.split(key, 5)
    inp = jax.random.normal(k0, (B, T, F), dtype=jnp.float32)
    sequence_mask = jnp.ones((B, T), dtype=bool)
    cache = jax.random.normal(k1, (BUFFER_SIZE, F), dtype=jnp.float32)
    start_indices = jax.random.randint(k2, (B, MAX_NUM_MIX), 0, BUFFER_SIZE - T)
    lam_u = jax.random.uniform(k3, (B, MAX_NUM_MIX), dtype=jnp.float32)
    scale_u = jax.random.uniform(k4, (B, MAX_NUM_MIX), dtype=jnp.float32)
    return {
        "input": inp,
        "sequence_mask": sequence_mask,
        "cache": cache,
        "start_indices": start_indices,
        "lam_u": lam_u,
        "scale_u": scale_u,
    }


def reference(input, sequence_mask, cache, start_indices, lam_u, scale_u):
    b_dim, t_dim, f_dim = input.shape
    max_num_mixup = start_indices.shape[1]
    # deterministic stand-ins for torch's uniform_ draws
    lambda_ = LAMBDA_MIN + lam_u * (LAMBDA_MAX - LAMBDA_MIN)  # [B, M]
    mixup_scales = 0.001 + scale_u * (1.0 - 0.001)            # [B, M]
    # num_mixup fixed to max_num_mix for every batch entry -> n_mask all True
    n_mask = jnp.ones((b_dim, max_num_mixup), dtype=bool)
    mixup_scales = mixup_scales * lambda_ / jnp.sum(
        mixup_scales * n_mask.astype(mixup_scales.dtype), axis=1, keepdims=True
    )
    mixup_scales_flat = mixup_scales.reshape(-1)   # [B*M] (masked_select with full mask)
    start_flat = start_indices.reshape(-1)         # [B*M]
    # FeatureBuffer.get_random: gather T-length windows from the cache
    idx = jnp.arange(t_dim)[:, None] + start_flat[None, :]   # [T, B*M]
    mixup_values = cache[idx]                                # [T, B*M, F] gather
    # einsum('ijk,j->ijk', mixup_values, scales)
    mixup_values = mixup_values * mixup_scales_flat[None, :, None]
    # scatter_add over batch dim (dim=1 of [T, B, F]) == segment_sum over mixup slots
    idx_b = jnp.repeat(jnp.arange(b_dim), max_num_mixup)     # [B*M]
    mv = jnp.transpose(mixup_values, (1, 0, 2))              # [B*M, T, F]
    mixup_value = jax.ops.segment_sum(mv, idx_b, num_segments=b_dim)  # [B, T, F]
    mixup_value = mixup_value * sequence_mask[:, :, None].astype(input.dtype)
    return input + mixup_value

if __name__ == "__main__":
    import jax
    _d = setup_inputs()
    print(jax.jit(kernel)(*tuple(_d.values())))

</pallas_src>

<mosaic_0001>
#map = affine_map<(d0, d1) -> (0, 0, 0)>
#map1 = affine_map<(d0, d1) -> (0, 0)>
module attributes {stable_mosaic.version = 14 : i64} {
  func.func @_sc_body(%arg0: i32, %arg1: i32, %arg2: memref<16x2048x128xf32, #tpu.memory_space<hbm>>, %arg3: memref<16x2048x16xf32, #tpu.memory_space<hbm>>, %arg4: memref<200000x128xf32, #tpu.memory_space<hbm>>, %arg5: memref<2x16x16xf32, #tpu.memory_space<hbm>>, %arg6: memref<16x2048x128xf32, #tpu.memory_space<hbm>>, %arg7: memref<2x16xf32, #tpu.memory_space<vmem>>, %arg8: memref<2x64x16xf32, #tpu.memory_space<vmem>>, %arg9: memref<2x64x128xf32, #tpu.memory_space<vmem>>, %arg10: memref<2x4x72x128xf32, #tpu.memory_space<vmem>>, %arg11: memref<2x64x128xf32, #tpu.memory_space<vmem>>, %arg12: memref<2x!tpu.dma_semaphore, #tpu.memory_space<semaphore_mem>>, %arg13: memref<2x!tpu.dma_semaphore, #tpu.memory_space<semaphore_mem>>) attributes {dimension_semantics = [#tpu.dimension_semantics<core_parallel>, #tpu.dimension_semantics<subcore_parallel>], iteration_bounds = array<i64: 2, 16>, scalar_prefetch = 0 : i64, scratch_operands = 7 : i64, tpu.core_type = #tpu.core_type<sc_vector_subcore>, window_params = [{transform_indices = #map}, {transform_indices = #map}, {transform_indices = #map1}, {transform_indices = #map}, {transform_indices = #map}]} {
    %mul3A = arith.constant 1024 : i32
    %mul3A_0 = arith.muli %arg0, %mul3A : i32
    %run_scoped3A = arith.constant 0 : i32
    %run_scoped3A_1 = arith.constant 0 : i32
    "tpu.region"() ({
      %run_scoped3A_309 = tpu.sem_alloc : memref<!tpu.dma_semaphore, #tpu.memory_space<semaphore_mem>>
      %dma_start3A_310 = arith.constant 0 : i32
      %dma_start3A_311 = tpu.memref_slice %arg7[%run_scoped3A_1, %dma_start3A_310] : memref<2x16xf32, #tpu.memory_space<vmem>> -> memref<1x16xf32, #tpu.memory_space<vmem>>
      %dma_start3A_312 = tpu.memref_squeeze %dma_start3A_311 : memref<1x16xf32, #tpu.memory_space<vmem>> -> memref<16xf32, #tpu.memory_space<vmem>>
      %dma_start3A_313 = arith.constant 0 : i32
      %dma_start3A_314 = tpu.memref_slice %arg5[%run_scoped3A, %arg1, %dma_start3A_313] : memref<2x16x16xf32, #tpu.memory_space<hbm>> -> memref<1x1x16xf32, #tpu.memory_space<hbm>>
      %dma_start3A_315 = tpu.memref_squeeze %dma_start3A_314 : memref<1x1x16xf32, #tpu.memory_space<hbm>> -> memref<16xf32, #tpu.memory_space<hbm>>
      %dma_start3A_316 = arith.constant 0 : i32
      %dma_start3A_317 = tpu.memref_slice %arg7[%run_scoped3A_1, %dma_start3A_316] : memref<2x16xf32, #tpu.memory_space<vmem>> -> memref<1x16xf32, #tpu.memory_space<vmem>>
      %dma_start3A_318 = tpu.memref_squeeze %dma_start3A_317 : memref<1x16xf32, #tpu.memory_space<vmem>> -> memref<16xf32, #tpu.memory_space<vmem>>
      %dma_start3A_319 = arith.constant 0 : i32
      %dma_start3A_320 = tpu.memref_slice %arg5[%run_scoped3A, %arg1, %dma_start3A_319] : memref<2x16x16xf32, #tpu.memory_space<hbm>> -> memref<1x1x16xf32, #tpu.memory_space<hbm>>
      %dma_start3A_321 = tpu.memref_squeeze %dma_start3A_320 : memref<1x1x16xf32, #tpu.memory_space<hbm>> -> memref<16xf32, #tpu.memory_space<hbm>>
      tpu.enqueue_dma source(%dma_start3A_321 : memref<16xf32, #tpu.memory_space<hbm>>) target(%dma_start3A_318 : memref<16xf32, #tpu.memory_space<vmem>>) target_semaphore(%run_scoped3A_309 : memref<!tpu.dma_semaphore, #tpu.memory_space<semaphore_mem>>)
      %dma_wait3A_322 = arith.constant 0 : i32
      %dma_wait3A_323 = tpu.memref_slice %arg7[%run_scoped3A_1, %dma_wait3A_322] : memref<2x16xf32, #tpu.memory_space<vmem>> -> memref<1x16xf32, #tpu.memory_space<vmem>>
      %dma_wait3A_324 = tpu.memref_squeeze %dma_wait3A_323 : memref<1x16xf32, #tpu.memory_space<vmem>> -> memref<16xf32, #tpu.memory_space<vmem>>
      %dma_wait3A_325 = arith.constant 0 : i32
      %dma_wait3A_326 = tpu.memref_slice %arg5[%run_scoped3A, %arg1, %dma_wait3A_325] : memref<2x16x16xf32, #tpu.memory_space<hbm>> -> memref<1x1x16xf32, #tpu.memory_space<hbm>>
      %dma_wait3A_327 = tpu.memref_squeeze %dma_wait3A_326 : memref<1x1x16xf32, #tpu.memory_space<hbm>> -> memref<16xf32, #tpu.memory_space<hbm>>
      %dma_wait3A_328 = arith.constant 0 : i32
      %dma_wait3A_329 = tpu.memref_slice %arg7[%run_scoped3A_1, %dma_wait3A_328] : memref<2x16xf32, #tpu.memory_space<vmem>> -> memref<1x16xf32, #tpu.memory_space<vmem>>
      %dma_wait3A_330 = tpu.memref_squeeze %dma_wait3A_329 : memref<1x16xf32, #tpu.memory_space<vmem>> -> memref<16xf32, #tpu.memory_space<vmem>>
      %dma_wait3A_331 = arith.constant 0 : i32
      %dma_wait3A_332 = tpu.memref_slice %arg5[%run_scoped3A, %arg1, %dma_wait3A_331] : memref<2x16x16xf32, #tpu.memory_space<hbm>> -> memref<1x1x16xf32, #tpu.memory_space<hbm>>
      %dma_wait3A_333 = tpu.memref_squeeze %dma_wait3A_332 : memref<1x1x16xf32, #tpu.memory_space<hbm>> -> memref<16xf32, #tpu.memory_space<hbm>>
      tpu.wait_dma2 semaphore(%run_scoped3A_309 : memref<!tpu.dma_semaphore, #tpu.memory_space<semaphore_mem>>) src(%dma_wait3A_333 : memref<16xf32, #tpu.memory_space<hbm>>) dst(%dma_wait3A_330 : memref<16xf32, #tpu.memory_space<vmem>>)
      tpu.yield
    }) : () -> ()
    %run_scoped3A_2 = arith.constant 1 : i32
    %run_scoped3A_3 = arith.constant 1 : i32
    "tpu.region"() ({
      %run_scoped3A_309 = tpu.sem_alloc : memref<!tpu.dma_semaphore, #tpu.memory_space<semaphore_mem>>
      %dma_start3A_310 = arith.constant 0 : i32
      %dma_start3A_311 = tpu.memref_slice %arg7[%run_scoped3A_3, %dma_start3A_310] : memref<2x16xf32, #tpu.memory_space<vmem>> -> memref<1x16xf32, #tpu.memory_space<vmem>>
      %dma_start3A_312 = tpu.memref_squeeze %dma_start3A_311 : memref<1x16xf32, #tpu.memory_space<vmem>> -> memref<16xf32, #tpu.memory_space<vmem>>
      %dma_start3A_313 = arith.constant 0 : i32
      %dma_start3A_314 = tpu.memref_slice %arg5[%run_scoped3A_2, %arg1, %dma_start3A_313] : memref<2x16x16xf32, #tpu.memory_space<hbm>> -> memref<1x1x16xf32, #tpu.memory_space<hbm>>
      %dma_start3A_315 = tpu.memref_squeeze %dma_start3A_314 : memref<1x1x16xf32, #tpu.memory_space<hbm>> -> memref<16xf32, #tpu.memory_space<hbm>>
      %dma_start3A_316 = arith.constant 0 : i32
      %dma_start3A_317 = tpu.memref_slice %arg7[%run_scoped3A_3, %dma_start3A_316] : memref<2x16xf32, #tpu.memory_space<vmem>> -> memref<1x16xf32, #tpu.memory_space<vmem>>
      %dma_start3A_318 = tpu.memref_squeeze %dma_start3A_317 : memref<1x16xf32, #tpu.memory_space<vmem>> -> memref<16xf32, #tpu.memory_space<vmem>>
      %dma_start3A_319 = arith.constant 0 : i32
      %dma_start3A_320 = tpu.memref_slice %arg5[%run_scoped3A_2, %arg1, %dma_start3A_319] : memref<2x16x16xf32, #tpu.memory_space<hbm>> -> memref<1x1x16xf32, #tpu.memory_space<hbm>>
      %dma_start3A_321 = tpu.memref_squeeze %dma_start3A_320 : memref<1x1x16xf32, #tpu.memory_space<hbm>> -> memref<16xf32, #tpu.memory_space<hbm>>
      tpu.enqueue_dma source(%dma_start3A_321 : memref<16xf32, #tpu.memory_space<hbm>>) target(%dma_start3A_318 : memref<16xf32, #tpu.memory_space<vmem>>) target_semaphore(%run_scoped3A_309 : memref<!tpu.dma_semaphore, #tpu.memory_space<semaphore_mem>>)
      %dma_wait3A_322 = arith.constant 0 : i32
      %dma_wait3A_323 = tpu.memref_slice %arg7[%run_scoped3A_3, %dma_wait3A_322] : memref<2x16xf32, #tpu.memory_space<vmem>> -> memref<1x16xf32, #tpu.memory_space<vmem>>
      %dma_wait3A_324 = tpu.memref_squeeze %dma_wait3A_323 : memref<1x16xf32, #tpu.memory_space<vmem>> -> memref<16xf32, #tpu.memory_space<vmem>>
      %dma_wait3A_325 = arith.constant 0 : i32
      %dma_wait3A_326 = tpu.memref_slice %arg5[%run_scoped3A_2, %arg1, %dma_wait3A_325] : memref<2x16x16xf32, #tpu.memory_space<hbm>> -> memref<1x1x16xf32, #tpu.memory_space<hbm>>
      %dma_wait3A_327 = tpu.memref_squeeze %dma_wait3A_326 : memref<1x1x16xf32, #tpu.memory_space<hbm>> -> memref<16xf32, #tpu.memory_space<hbm>>
      %dma_wait3A_328 = arith.constant 0 : i32
      %dma_wait3A_329 = tpu.memref_slice %arg7[%run_scoped3A_3, %dma_wait3A_328] : memref<2x16xf32, #tpu.memory_space<vmem>> -> memref<1x16xf32, #tpu.memory_space<vmem>>
      %dma_wait3A_330 = tpu.memref_squeeze %dma_wait3A_329 : memref<1x16xf32, #tpu.memory_space<vmem>> -> memref<16xf32, #tpu.memory_space<vmem>>
      %dma_wait3A_331 = arith.constant 0 : i32
      %dma_wait3A_332 = tpu.memref_slice %arg5[%run_scoped3A_2, %arg1, %dma_wait3A_331] : memref<2x16x16xf32, #tpu.memory_space<hbm>> -> memref<1x1x16xf32, #tpu.memory_space<hbm>>
      %dma_wait3A_333 = tpu.memref_squeeze %dma_wait3A_332 : memref<1x1x16xf32, #tpu.memory_space<hbm>> -> memref<16xf32, #tpu.memory_space<hbm>>
      tpu.wait_dma2 semaphore(%run_scoped3A_309 : memref<!tpu.dma_semaphore, #tpu.memory_space<semaphore_mem>>) src(%dma_wait3A_333 : memref<16xf32, #tpu.memory_space<hbm>>) dst(%dma_wait3A_330 : memref<16xf32, #tpu.memory_space<vmem>>)
      tpu.yield
    }) : () -> ()
    %get3A = arith.constant 0 : i32
    %get3A_4 = arith.index_cast %get3A : i32 to index
    %get3A_5 = arith.constant 0 : index
    %get3A_6 = tpu.vector_load %arg7[%get3A_4, %get3A_5] {strides = array<i32>} : memref<2x16xf32, #tpu.memory_space<vmem>>, vector<1x16xf32>,
    %get3A_7 = vector.shape_cast %get3A_6 : vector<1x16xf32> to vector<16xf32>
    %get3A_8 = arith.constant 1 : i32
    %get3A_9 = arith.index_cast %get3A_8 : i32 to index
    %get3A_10 = arith.constant 0 : index
    %get3A_11 = tpu.vector_load %arg7[%get3A_9, %get3A_10] {strides = array<i32>} : memref<2x16xf32, #tpu.memory_space<vmem>>, vector<1x16xf32>,
    %get3A_12 = vector.shape_cast %get3A_11 : vector<1x16xf32> to vector<16xf32>
    %convert_element_type3A = arith.fptosi %get3A_12 : vector<16xf32> to vector<16xi32>
    %slice3A = vector.extract_strided_slice %convert_element_type3A {offsets = [0], sizes = [1], strides = [1]} : vector<16xi32> to vector<1xi32>
    %squeeze3A = vector.extract %slice3A[0] : i32 from vector<1xi32>
    %slice3A_13 = vector.extract_strided_slice %convert_element_type3A {offsets = [1], sizes = [1], strides = [1]} : vector<16xi32> to vector<1xi32>
    %squeeze3A_14 = vector.extract %slice3A_13[0] : i32 from vector<1xi32>
    %slice3A_15 = vector.extract_strided_slice %convert_element_type3A {offsets = [2], sizes = [1], strides = [1]} : vector<16xi32> to vector<1xi32>
    %squeeze3A_16 = vector.extract %slice3A_15[0] : i32 from vector<1xi32>
    %slice3A_17 = vector.extract_strided_slice %convert_element_type3A {offsets = [3], sizes = [1], strides = [1]} : vector<16xi32> to vector<1xi32>
    %squeeze3A_18 = vector.extract %slice3A_17[0] : i32 from vector<1xi32>
    %and3A = arith.constant 7 : i32
    %and3A_19 = arith.andi %squeeze3A, %and3A : i32
    %and3A_20 = arith.constant 7 : i32
    %and3A_21 = arith.andi %squeeze3A_14, %and3A_20 : i32
    %and3A_22 = arith.constant 7 : i32
    %and3A_23 = arith.andi %squeeze3A_16, %and3A_22 : i32
    %and3A_24 = arith.constant 7 : i32
    %and3A_25 = arith.andi %squeeze3A_18, %and3A_24 : i32
    %sub3A = arith.subi %squeeze3A, %and3A_19 : i32
    %sub3A_26 = arith.subi %squeeze3A_14, %and3A_21 : i32
    %sub3A_27 = arith.subi %squeeze3A_16, %and3A_23 : i32
    %sub3A_28 = arith.subi %squeeze3A_18, %and3A_25 : i32
    %slice3A_29 = vector.extract_strided_slice %get3A_7 {offsets = [0], sizes = [1], strides = [1]} : vector<16xf32> to vector<1xf32>
    %squeeze3A_30 = vector.extract %slice3A_29[0] : f32 from vector<1xf32>
    %broadcast_in_dim3A = vector.broadcast %squeeze3A_30 : f32 to vector<16xf32>
    %slice3A_31 = vector.extract_strided_slice %get3A_7 {offsets = [1], sizes = [1], strides = [1]} : vector<16xf32> to vector<1xf32>
    %squeeze3A_32 = vector.extract %slice3A_31[0] : f32 from vector<1xf32>
    %broadcast_in_dim3A_33 = vector.broadcast %squeeze3A_32 : f32 to vector<16xf32>
    %slice3A_34 = vector.extract_strided_slice %get3A_7 {offsets = [2], sizes = [1], strides = [1]} : vector<16xf32> to vector<1xf32>
    %squeeze3A_35 = vector.extract %slice3A_34[0] : f32 from vector<1xf32>
    %broadcast_in_dim3A_36 = vector.broadcast %squeeze3A_35 : f32 to vector<16xf32>
    %slice3A_37 = vector.extract_strided_slice %get3A_7 {offsets = [3], sizes = [1], strides = [1]} : vector<16xf32> to vector<1xf32>
    %squeeze3A_38 = vector.extract %slice3A_37[0] : f32 from vector<1xf32>
    %broadcast_in_dim3A_39 = vector.broadcast %squeeze3A_38 : f32 to vector<16xf32>
    %add3A = arith.constant 0 : i32
    %add3A_40 = arith.addi %mul3A_0, %add3A : i32
    %add3A_41 = arith.addi %sub3A, %add3A_40 : i32
    %multiple_of3A = tpu.assume_multiple %add3A_41, 8 : i32
    %add3A_42 = arith.addi %sub3A_26, %add3A_40 : i32
    %multiple_of3A_43 = tpu.assume_multiple %add3A_42, 8 : i32
    %add3A_44 = arith.addi %sub3A_27, %add3A_40 : i32
    %multiple_of3A_45 = tpu.assume_multiple %add3A_44, 8 : i32
    %add3A_46 = arith.addi %sub3A_28, %add3A_40 : i32
    %multiple_of3A_47 = tpu.assume_multiple %add3A_46, 8 : i32
    %dma_start3A = arith.constant 0 : i32
    %dma_start3A_48 = arith.constant 0 : i32
    %dma_start3A_49 = arith.constant 0 : i32
    %dma_start3A_50 = arith.constant 0 : i32
    %dma_start3A_51 = tpu.memref_slice %arg9[%dma_start3A, %dma_start3A_49, %dma_start3A_50] : memref<2x64x128xf32, #tpu.memory_space<vmem>> -> memref<1x64x128xf32, #tpu.memory_space<vmem>>
    %dma_start3A_52 = tpu.memref_squeeze %dma_start3A_51 : memref<1x64x128xf32, #tpu.memory_space<vmem>> -> memref<64x128xf32, #tpu.memory_space<vmem>>
    %dma_start3A_53 = arith.constant 0 : i32
    %dma_start3A_54 = tpu.memref_slice %arg2[%arg1, %add3A_40, %dma_start3A_53] : memref<16x2048x128xf32, #tpu.memory_space<hbm>> -> memref<1x64x128xf32, #tpu.memory_space<hbm>>
    %dma_start3A_55 = tpu.memref_squeeze %dma_start3A_54 : memref<1x64x128xf32, #tpu.memory_space<hbm>> -> memref<64x128xf32, #tpu.memory_space<hbm>>
    %dma_start3A_56 = tpu.memref_slice %arg12[%dma_start3A_48] : memref<2x!tpu.dma_semaphore, #tpu.memory_space<semaphore_mem>> -> memref<1x!tpu.dma_semaphore, #tpu.memory_space<semaphore_mem>>
    %dma_start3A_57 = tpu.memref_squeeze %dma_start3A_56 : memref<1x!tpu.dma_semaphore, #tpu.memory_space<semaphore_mem>> -> memref<!tpu.dma_semaphore, #tpu.memory_space<semaphore_mem>>
    %dma_start3A_58 = arith.constant 0 : i32
    %dma_start3A_59 = arith.constant 0 : i32
    %dma_start3A_60 = tpu.memref_slice %arg9[%dma_start3A, %dma_start3A_58, %dma_start3A_59] : memref<2x64x128xf32, #tpu.memory_space<vmem>> -> memref<1x64x128xf32, #tpu.memory_space<vmem>>
    %dma_start3A_61 = tpu.memref_squeeze %dma_start3A_60 : memref<1x64x128xf32, #tpu.memory_space<vmem>> -> memref<64x128xf32, #tpu.memory_space<vmem>>
    %dma_start3A_62 = arith.constant 0 : i32
    %dma_start3A_63 = tpu.memref_slice %arg2[%arg1, %add3A_40, %dma_start3A_62] : memref<16x2048x128xf32, #tpu.memory_space<hbm>> -> memref<1x64x128xf32, #tpu.memory_space<hbm>>
    %dma_start3A_64 = tpu.memref_squeeze %dma_start3A_63 : memref<1x64x128xf32, #tpu.memory_space<hbm>> -> memref<64x128xf32, #tpu.memory_space<hbm>>
    tpu.enqueue_dma source(%dma_start3A_64 : memref<64x128xf32, #tpu.memory_space<hbm>>) target(%dma_start3A_61 : memref<64x128xf32, #tpu.memory_space<vmem>>) target_semaphore(%dma_start3A_57 : memref<!tpu.dma_semaphore, #tpu.memory_space<semaphore_mem>>)
    %dma_start3A_65 = arith.constant 0 : i32
    %dma_start3A_66 = arith.constant 0 : i32
    %dma_start3A_67 = arith.constant 0 : i32
    %dma_start3A_68 = arith.constant 0 : i32
    %dma_start3A_69 = tpu.memref_slice %arg8[%dma_start3A_65, %dma_start3A_67, %dma_start3A_68] : memref<2x64x16xf32, #tpu.memory_space<vmem>> -> memref<1x64x16xf32, #tpu.memory_space<vmem>>
    %dma_start3A_70 = tpu.memref_squeeze %dma_start3A_69 : memref<1x64x16xf32, #tpu.memory_space<vmem>> -> memref<64x16xf32, #tpu.memory_space<vmem>>
    %dma_start3A_71 = arith.constant 0 : i32
    %dma_start3A_72 = tpu.memref_slice %arg3[%arg1, %add3A_40, %dma_start3A_71] : memref<16x2048x16xf32, #tpu.memory_space<hbm>> -> memref<1x64x16xf32, #tpu.memory_space<hbm>>
    %dma_start3A_73 = tpu.memref_squeeze %dma_start3A_72 : memref<1x64x16xf32, #tpu.memory_space<hbm>> -> memref<64x16xf32, #tpu.memory_space<hbm>>
    %dma_start3A_74 = tpu.memref_slice %arg12[%dma_start3A_66] : memref<2x!tpu.dma_semaphore, #tpu.memory_space<semaphore_mem>> -> memref<1x!tpu.dma_semaphore, #tpu.memory_space<semaphore_mem>>
    %dma_start3A_75 = tpu.memref_squeeze %dma_start3A_74 : memref<1x!tpu.dma_semaphore, #tpu.memory_space<semaphore_mem>> -> memref<!tpu.dma_semaphore, #tpu.memory_space<semaphore_mem>>
    %dma_start3A_76 = arith.constant 0 : i32
    %dma_start3A_77 = arith.constant 0 : i32
    %dma_start3A_78 = tpu.memref_slice %arg8[%dma_start3A_65, %dma_start3A_76, %dma_start3A_77] : memref<2x64x16xf32, #tpu.memory_space<vmem>> -> memref<1x64x16xf32, #tpu.memory_space<vmem>>
    %dma_start3A_79 = tpu.memref_squeeze %dma_start3A_78 : memref<1x64x16xf32, #tpu.memory_space<vmem>> -> memref<64x16xf32, #tpu.memory_space<vmem>>
    %dma_start3A_80 = arith.constant 0 : i32
    %dma_start3A_81 = tpu.memref_slice %arg3[%arg1, %add3A_40, %dma_start3A_80] : memref<16x2048x16xf32, #tpu.memory_space<hbm>> -> memref<1x64x16xf32, #tpu.memory_space<hbm>>
    %dma_start3A_82 = tpu.memref_squeeze %dma_start3A_81 : memref<1x64x16xf32, #tpu.memory_space<hbm>> -> memref<64x16xf32, #tpu.memory_space<hbm>>
    tpu.enqueue_dma source(%dma_start3A_82 : memref<64x16xf32, #tpu.memory_space<hbm>>) target(%dma_start3A_79 : memref<64x16xf32, #tpu.memory_space<vmem>>) target_semaphore(%dma_start3A_75 : memref<!tpu.dma_semaphore, #tpu.memory_space<semaphore_mem>>)
    %dma_start3A_83 = arith.constant 0 : i32
    %dma_start3A_84 = arith.constant 0 : i32
    %dma_start3A_85 = arith.constant 0 : i32
    %dma_start3A_86 = arith.constant 0 : i32
    %dma_start3A_87 = arith.constant 0 : i32
    %dma_start3A_88 = tpu.memref_slice %arg10[%dma_start3A_83, %dma_start3A_84, %dma_start3A_86, %dma_start3A_87] : memref<2x4x72x128xf32, #tpu.memory_space<vmem>> -> memref<1x1x72x128xf32, #tpu.memory_space<vmem>>
    %dma_start3A_89 = tpu.memref_squeeze %dma_start3A_88 : memref<1x1x72x128xf32, #tpu.memory_space<vmem>> -> memref<72x128xf32, #tpu.memory_space<vmem>>
    %dma_start3A_90 = arith.constant 0 : i32
    %dma_start3A_91 = tpu.memref_slice %arg4[%multiple_of3A, %dma_start3A_90] : memref<200000x128xf32, #tpu.memory_space<hbm>> -> memref<72x128xf32, #tpu.memory_space<hbm>>
    %dma_start3A_92 = tpu.memref_slice %arg12[%dma_start3A_85] : memref<2x!tpu.dma_semaphore, #tpu.memory_space<semaphore_mem>> -> memref<1x!tpu.dma_semaphore, #tpu.memory_space<semaphore_mem>>
    %dma_start3A_93 = tpu.memref_squeeze %dma_start3A_92 : memref<1x!tpu.dma_semaphore, #tpu.memory_space<semaphore_mem>> -> memref<!tpu.dma_semaphore, #tpu.memory_space<semaphore_mem>>
    %dma_start3A_94 = arith.constant 0 : i32
    %dma_start3A_95 = arith.constant 0 : i32
    %dma_start3A_96 = tpu.memref_slice %arg10[%dma_start3A_83, %dma_start3A_84, %dma_start3A_94, %dma_start3A_95] : memref<2x4x72x128xf32, #tpu.memory_space<vmem>> -> memref<1x1x72x128xf32, #tpu.memory_space<vmem>>
    %dma_start3A_97 = tpu.memref_squeeze %dma_start3A_96 : memref<1x1x72x128xf32, #tpu.memory_space<vmem>> -> memref<72x128xf32, #tpu.memory_space<vmem>>
    %dma_start3A_98 = arith.constant 0 : i32
    %dma_start3A_99 = tpu.memref_slice %arg4[%multiple_of3A, %dma_start3A_98] : memref<200000x128xf32, #tpu.memory_space<hbm>> -> memref<72x128xf32, #tpu.memory_space<hbm>>
    tpu.enqueue_dma source(%dma_start3A_99 : memref<72x128xf32, #tpu.memory_space<hbm>>) target(%dma_start3A_97 : memref<72x128xf32, #tpu.memory_space<vmem>>) target_semaphore(%dma_start3A_93 : memref<!tpu.dma_semaphore, #tpu.memory_space<semaphore_mem>>)
    %dma_start3A_100 = arith.constant 0 : i32
    %dma_start3A_101 = arith.constant 1 : i32
    %dma_start3A_102 = arith.constant 0 : i32
    %dma_start3A_103 = arith.constant 0 : i32
    %dma_start3A_104 = arith.constant 0 : i32
    %dma_start3A_105 = tpu.memref_slice %arg10[%dma_start3A_100, %dma_start3A_101, %dma_start3A_103, %dma_start3A_104] : memref<2x4x72x128xf32, #tpu.memory_space<vmem>> -> memref<1x1x72x128xf32, #tpu.memory_space<vmem>>
    %dma_start3A_106 = tpu.memref_squeeze %dma_start3A_105 : memref<1x1x72x128xf32, #tpu.memory_space<vmem>> -> memref<72x128xf32, #tpu.memory_space<vmem>>
    %dma_start3A_107 = arith.constant 0 : i32
    %dma_start3A_108 = tpu.memref_slice %arg4[%multiple_of3A_43, %dma_start3A_107] : memref<200000x128xf32, #tpu.memory_space<hbm>> -> memref<72x128xf32, #tpu.memory_space<hbm>>
    %dma_start3A_109 = tpu.memref_slice %arg12[%dma_start3A_102] : memref<2x!tpu.dma_semaphore, #tpu.memory_space<semaphore_mem>> -> memref<1x!tpu.dma_semaphore, #tpu.memory_space<semaphore_mem>>
    %dma_start3A_110 = tpu.memref_squeeze %dma_start3A_109 : memref<1x!tpu.dma_semaphore, #tpu.memory_space<semaphore_mem>> -> memref<!tpu.dma_semaphore, #tpu.memory_space<semaphore_mem>>
    %dma_start3A_111 = arith.constant 0 : i32
    %dma_start3A_112 = arith.constant 0 : i32
    %dma_start3A_113 = tpu.memref_slice %arg10[%dma_start3A_100, %dma_start3A_101, %dma_start3A_111, %dma_start3A_112] : memref<2x4x72x128xf32, #tpu.memory_space<vmem>> -> memref<1x1x72x128xf32, #tpu.memory_space<vmem>>
    %dma_start3A_114 = tpu.memref_squeeze %dma_start3A_113 : memref<1x1x72x128xf32, #tpu.memory_space<vmem>> -> memref<72x128xf32, #tpu.memory_space<vmem>>
    %dma_start3A_115 = arith.constant 0 : i32
    %dma_start3A_116 = tpu.memref_slice %arg4[%multiple_of3A_43, %dma_start3A_115] : memref<200000x128xf32, #tpu.memory_space<hbm>> -> memref<72x128xf32, #tpu.memory_space<hbm>>
    tpu.enqueue_dma source(%dma_start3A_116 : memref<72x128xf32, #tpu.memory_space<hbm>>) target(%dma_start3A_114 : memref<72x128xf32, #tpu.memory_space<vmem>>) target_semaphore(%dma_start3A_110 : memref<!tpu.dma_semaphore, #tpu.memory_space<semaphore_mem>>)
    %dma_start3A_117 = arith.constant 0 : i32
    %dma_start3A_118 = arith.constant 2 : i32
    %dma_start3A_119 = arith.constant 0 : i32
    %dma_start3A_120 = arith.constant 0 : i32
    %dma_start3A_121 = arith.constant 0 : i32
    %dma_start3A_122 = tpu.memref_slice %arg10[%dma_start3A_117, %dma_start3A_118, %dma_start3A_120, %dma_start3A_121] : memref<2x4x72x128xf32, #tpu.memory_space<vmem>> -> memref<1x1x72x128xf32, #tpu.memory_space<vmem>>
    %dma_start3A_123 = tpu.memref_squeeze %dma_start3A_122 : memref<1x1x72x128xf32, #tpu.memory_space<vmem>> -> memref<72x128xf32, #tpu.memory_space<vmem>>
    %dma_start3A_124 = arith.constant 0 : i32
    %dma_start3A_125 = tpu.memref_slice %arg4[%multiple_of3A_45, %dma_start3A_124] : memref<200000x128xf32, #tpu.memory_space<hbm>> -> memref<72x128xf32, #tpu.memory_space<hbm>>
    %dma_start3A_126 = tpu.memref_slice %arg12[%dma_start3A_119] : memref<2x!tpu.dma_semaphore, #tpu.memory_space<semaphore_mem>> -> memref<1x!tpu.dma_semaphore, #tpu.memory_space<semaphore_mem>>
    %dma_start3A_127 = tpu.memref_squeeze %dma_start3A_126 : memref<1x!tpu.dma_semaphore, #tpu.memory_space<semaphore_mem>> -> memref<!tpu.dma_semaphore, #tpu.memory_space<semaphore_mem>>
    %dma_start3A_128 = arith.constant 0 : i32
    %dma_start3A_129 = arith.constant 0 : i32
    %dma_start3A_130 = tpu.memref_slice %arg10[%dma_start3A_117, %dma_start3A_118, %dma_start3A_128, %dma_start3A_129] : memref<2x4x72x128xf32, #tpu.memory_space<vmem>> -> memref<1x1x72x128xf32, #tpu.memory_space<vmem>>
    %dma_start3A_131 = tpu.memref_squeeze %dma_start3A_130 : memref<1x1x72x128xf32, #tpu.memory_space<vmem>> -> memref<72x128xf32, #tpu.memory_space<vmem>>
    %dma_start3A_132 = arith.constant 0 : i32
    %dma_start3A_133 = tpu.memref_slice %arg4[%multiple_of3A_45, %dma_start3A_132] : memref<200000x128xf32, #tpu.memory_space<hbm>> -> memref<72x128xf32, #tpu.memory_space<hbm>>
    tpu.enqueue_dma source(%dma_start3A_133 : memref<72x128xf32, #tpu.memory_space<hbm>>) target(%dma_start3A_131 : memref<72x128xf32, #tpu.memory_space<vmem>>) target_semaphore(%dma_start3A_127 : memref<!tpu.dma_semaphore, #tpu.memory_space<semaphore_mem>>)
    %dma_start3A_134 = arith.constant 0 : i32
    %dma_start3A_135 = arith.constant 3 : i32
    %dma_start3A_136 = arith.constant 0 : i32
    %dma_start3A_137 = arith.constant 0 : i32
    %dma_start3A_138 = arith.constant 0 : i32
    %dma_start3A_139 = tpu.memref_slice %arg10[%dma_start3A_134, %dma_start3A_135, %dma_start3A_137, %dma_start3A_138] : memref<2x4x72x128xf32, #tpu.memory_space<vmem>> -> memref<1x1x72x128xf32, #tpu.memory_space<vmem>>
    %dma_start3A_140 = tpu.memref_squeeze %dma_start3A_139 : memref<1x1x72x128xf32, #tpu.memory_space<vmem>> -> memref<72x128xf32, #tpu.memory_space<vmem>>
    %dma_start3A_141 = arith.constant 0 : i32
    %dma_start3A_142 = tpu.memref_slice %arg4[%multiple_of3A_47, %dma_start3A_141] : memref<200000x128xf32, #tpu.memory_space<hbm>> -> memref<72x128xf32, #tpu.memory_space<hbm>>
    %dma_start3A_143 = tpu.memref_slice %arg12[%dma_start3A_136] : memref<2x!tpu.dma_semaphore, #tpu.memory_space<semaphore_mem>> -> memref<1x!tpu.dma_semaphore, #tpu.memory_space<semaphore_mem>>
    %dma_start3A_144 = tpu.memref_squeeze %dma_start3A_143 : memref<1x!tpu.dma_semaphore, #tpu.memory_space<semaphore_mem>> -> memref<!tpu.dma_semaphore, #tpu.memory_space<semaphore_mem>>
    %dma_start3A_145 = arith.constant 0 : i32
    %dma_start3A_146 = arith.constant 0 : i32
    %dma_start3A_147 = tpu.memref_slice %arg10[%dma_start3A_134, %dma_start3A_135, %dma_start3A_145, %dma_start3A_146] : memref<2x4x72x128xf32, #tpu.memory_space<vmem>> -> memref<1x1x72x128xf32, #tpu.memory_space<vmem>>
    %dma_start3A_148 = tpu.memref_squeeze %dma_start3A_147 : memref<1x1x72x128xf32, #tpu.memory_space<vmem>> -> memref<72x128xf32, #tpu.memory_space<vmem>>
    %dma_start3A_149 = arith.constant 0 : i32
    %dma_start3A_150 = tpu.memref_slice %arg4[%multiple_of3A_47, %dma_start3A_149] : memref<200000x128xf32, #tpu.memory_space<hbm>> -> memref<72x128xf32, #tpu.memory_space<hbm>>
    tpu.enqueue_dma source(%dma_start3A_150 : memref<72x128xf32, #tpu.memory_space<hbm>>) target(%dma_start3A_148 : memref<72x128xf32, #tpu.memory_space<vmem>>) target_semaphore(%dma_start3A_144 : memref<!tpu.dma_semaphore, #tpu.memory_space<semaphore_mem>>)
    %add3A_151 = arith.constant 64 : i32
    %add3A_152 = arith.addi %mul3A_0, %add3A_151 : i32
    %add3A_153 = arith.addi %sub3A, %add3A_152 : i32
    %multiple_of3A_154 = tpu.assume_multiple %add3A_153, 8 : i32
    %add3A_155 = arith.addi %sub3A_26, %add3A_152 : i32
    %multiple_of3A_156 = tpu.assume_multiple %add3A_155, 8 : i32
    %add3A_157 = arith.addi %sub3A_27, %add3A_152 : i32
    %multiple_of3A_158 = tpu.assume_multiple %add3A_157, 8 : i32
    %add3A_159 = arith.addi %sub3A_28, %add3A_152 : i32
    %multiple_of3A_160 = tpu.assume_multiple %add3A_159, 8 : i32
    %dma_start3A_161 = arith.constant 1 : i32
    %dma_start3A_162 = arith.constant 1 : i32
    %dma_start3A_163 = arith.constant 0 : i32
    %dma_start3A_164 = arith.constant 0 : i32
    %dma_start3A_165 = tpu.memref_slice %arg9[%dma_start3A_161, %dma_start3A_163, %dma_start3A_164] : memref<2x64x128xf32, #tpu.memory_space<vmem>> -> memref<1x64x128xf32, #tpu.memory_space<vmem>>
    %dma_start3A_166 = tpu.memref_squeeze %dma_start3A_165 : memref<1x64x128xf32, #tpu.memory_space<vmem>> -> memref<64x128xf32, #tpu.memory_space<vmem>>
    %dma_start3A_167 = arith.constant 0 : i32
    %dma_start3A_168 = tpu.memref_slice %arg2[%arg1, %add3A_152, %dma_start3A_167] : memref<16x2048x128xf32, #tpu.memory_space<hbm>> -> memref<1x64x128xf32, #tpu.memory_space<hbm>>
    %dma_start3A_169 = tpu.memref_squeeze %dma_start3A_168 : memref<1x64x128xf32, #tpu.memory_space<hbm>> -> memref<64x128xf32, #tpu.memory_space<hbm>>
    %dma_start3A_170 = tpu.memref_slice %arg12[%dma_start3A_162] : memref<2x!tpu.dma_semaphore, #tpu.memory_space<semaphore_mem>> -> memref<1x!tpu.dma_semaphore, #tpu.memory_space<semaphore_mem>>
    %dma_start3A_171 = tpu.memref_squeeze %dma_start3A_170 : memref<1x!tpu.dma_semaphore, #tpu.memory_space<semaphore_mem>> -> memref<!tpu.dma_semaphore, #tpu.memory_space<semaphore_mem>>
    %dma_start3A_172 = arith.constant 0 : i32
    %dma_start3A_173 = arith.constant 0 : i32
    %dma_start3A_174 = tpu.memref_slice %arg9[%dma_start3A_161, %dma_start3A_172, %dma_start3A_173] : memref<2x64x128xf32, #tpu.memory_space<vmem>> -> memref<1x64x128xf32, #tpu.memory_space<vmem>>
    %dma_start3A_175 = tpu.memref_squeeze %dma_start3A_174 : memref<1x64x128xf32, #tpu.memory_space<vmem>> -> memref<64x128xf32, #tpu.memory_space<vmem>>
    %dma_start3A_176 = arith.constant 0 : i32
    %dma_start3A_177 = tpu.memref_slice %arg2[%arg1, %add3A_152, %dma_start3A_176] : memref<16x2048x128xf32, #tpu.memory_space<hbm>> -> memref<1x64x128xf32, #tpu.memory_space<hbm>>
    %dma_start3A_178 = tpu.memref_squeeze %dma_start3A_177 : memref<1x64x128xf32, #tpu.memory_space<hbm>> -> memref<64x128xf32, #tpu.memory_space<hbm>>
    tpu.enqueue_dma source(%dma_start3A_178 : memref<64x128xf32, #tpu.memory_space<hbm>>) target(%dma_start3A_175 : memref<64x128xf32, #tpu.memory_space<vmem>>) target_semaphore(%dma_start3A_171 : memref<!tpu.dma_semaphore, #tpu.memory_space<semaphore_mem>>)
    %dma_start3A_179 = arith.constant 1 : i32
    %dma_start3A_180 = arith.constant 1 : i32
    %dma_start3A_181 = arith.constant 0 : i32
    %dma_start3A_182 = arith.constant 0 : i32
    %dma_start3A_183 = tpu.memref_slice %arg8[%dma_start3A_179, %dma_start3A_181, %dma_start3A_182] : memref<2x64x16xf32, #tpu.memory_space<vmem>> -> memref<1x64x16xf32, #tpu.memory_space<vmem>>
    %dma_start3A_184 = tpu.memref_squeeze %dma_start3A_183 : memref<1x64x16xf32, #tpu.memory_space<vmem>> -> memref<64x16xf32, #tpu.memory_space<vmem>>
    %dma_start3A_185 = arith.constant 0 : i32
    %dma_start3A_186 = tpu.memref_slice %arg3[%arg1, %add3A_152, %dma_start3A_185] : memref<16x2048x16xf32, #tpu.memory_space<hbm>> -> memref<1x64x16xf32, #tpu.memory_space<hbm>>
    %dma_start3A_187 = tpu.memref_squeeze %dma_start3A_186 : memref<1x64x16xf32, #tpu.memory_space<hbm>> -> memref<64x16xf32, #tpu.memory_space<hbm>>
    %dma_start3A_188 = tpu.memref_slice %arg12[%dma_start3A_180] : memref<2x!tpu.dma_semaphore, #tpu.memory_space<semaphore_mem>> -> memref<1x!tpu.dma_semaphore, #tpu.memory_space<semaphore_mem>>
    %dma_start3A_189 = tpu.memref_squeeze %dma_start3A_188 : memref<1x!tpu.dma_semaphore, #tpu.memory_space<semaphore_mem>> -> memref<!tpu.dma_semaphore, #tpu.memory_space<semaphore_mem>>
    %dma_start3A_190 = arith.constant 0 : i32
    %dma_start3A_191 = arith.constant 0 : i32
    %dma_start3A_192 = tpu.memref_slice %arg8[%dma_start3A_179, %dma_start3A_190, %dma_start3A_191] : memref<2x64x16xf32, #tpu.memory_space<vmem>> -> memref<1x64x16xf32, #tpu.memory_space<vmem>>
    %dma_start3A_193 = tpu.memref_squeeze %dma_start3A_192 : memref<1x64x16xf32, #tpu.memory_space<vmem>> -> memref<64x16xf32, #tpu.memory_space<vmem>>
    %dma_start3A_194 = arith.constant 0 : i32
    %dma_start3A_195 = tpu.memref_slice %arg3[%arg1, %add3A_152, %dma_start3A_194] : memref<16x2048x16xf32, #tpu.memory_space<hbm>> -> memref<1x64x16xf32, #tpu.memory_space<hbm>>
    %dma_start3A_196 = tpu.memref_squeeze %dma_start3A_195 : memref<1x64x16xf32, #tpu.memory_space<hbm>> -> memref<64x16xf32, #tpu.memory_space<hbm>>
    tpu.enqueue_dma source(%dma_start3A_196 : memref<64x16xf32, #tpu.memory_space<hbm>>) target(%dma_start3A_193 : memref<64x16xf32, #tpu.memory_space<vmem>>) target_semaphore(%dma_start3A_189 : memref<!tpu.dma_semaphore, #tpu.memory_space<semaphore_mem>>)
    %dma_start3A_197 = arith.constant 1 : i32
    %dma_start3A_198 = arith.constant 0 : i32
    %dma_start3A_199 = arith.constant 1 : i32
    %dma_start3A_200 = arith.constant 0 : i32
    %dma_start3A_201 = arith.constant 0 : i32
    %dma_start3A_202 = tpu.memref_slice %arg10[%dma_start3A_197, %dma_start3A_198, %dma_start3A_200, %dma_start3A_201] : memref<2x4x72x128xf32, #tpu.memory_space<vmem>> -> memref<1x1x72x128xf32, #tpu.memory_space<vmem>>
    %dma_start3A_203 = tpu.memref_squeeze %dma_start3A_202 : memref<1x1x72x128xf32, #tpu.memory_space<vmem>> -> memref<72x128xf32, #tpu.memory_space<vmem>>
    %dma_start3A_204 = arith.constant 0 : i32
    %dma_start3A_205 = tpu.memref_slice %arg4[%multiple_of3A_154, %dma_start3A_204] : memref<200000x128xf32, #tpu.memory_space<hbm>> -> memref<72x128xf32, #tpu.memory_space<hbm>>
    %dma_start3A_206 = tpu.memref_slice %arg12[%dma_start3A_199] : memref<2x!tpu.dma_semaphore, #tpu.memory_space<semaphore_mem>> -> memref<1x!tpu.dma_semaphore, #tpu.memory_space<semaphore_mem>>
    %dma_start3A_207 = tpu.memref_squeeze %dma_start3A_206 : memref<1x!tpu.dma_semaphore, #tpu.memory_space<semaphore_mem>> -> memref<!tpu.dma_semaphore, #tpu.memory_space<semaphore_mem>>
    %dma_start3A_208 = arith.constant 0 : i32
    %dma_start3A_209 = arith.constant 0 : i32
    %dma_start3A_210 = tpu.memref_slice %arg10[%dma_start3A_197, %dma_start3A_198, %dma_start3A_208, %dma_start3A_209] : memref<2x4x72x128xf32, #tpu.memory_space<vmem>> -> memref<1x1x72x128xf32, #tpu.memory_space<vmem>>
    %dma_start3A_211 = tpu.memref_squeeze %dma_start3A_210 : memref<1x1x72x128xf32, #tpu.memory_space<vmem>> -> memref<72x128xf32, #tpu.memory_space<vmem>>
    %dma_start3A_212 = arith.constant 0 : i32
    %dma_start3A_213 = tpu.memref_slice %arg4[%multiple_of3A_154, %dma_start3A_212] : memref<200000x128xf32, #tpu.memory_space<hbm>> -> memref<72x128xf32, #tpu.memory_space<hbm>>
    tpu.enqueue_dma source(%dma_start3A_213 : memref<72x128xf32, #tpu.memory_space<hbm>>) target(%dma_start3A_211 : memref<72x128xf32, #tpu.memory_space<vmem>>) target_semaphore(%dma_start3A_207 : memref<!tpu.dma_semaphore, #tpu.memory_space<semaphore_mem>>)
    %dma_start3A_214 = arith.constant 1 : i32
    %dma_start3A_215 = arith.constant 1 : i32
    %dma_start3A_216 = arith.constant 1 : i32
    %dma_start3A_217 = arith.constant 0 : i32
    %dma_start3A_218 = arith.constant 0 : i32
    %dma_start3A_219 = tpu.memref_slice %arg10[%dma_start3A_214, %dma_start3A_215, %dma_start3A_217, %dma_start3A_218] : memref<2x4x72x128xf32, #tpu.memory_space<vmem>> -> memref<1x1x72x128xf32, #tpu.memory_space<vmem>>
    %dma_start3A_220 = tpu.memref_squeeze %dma_start3A_219 : memref<1x1x72x128xf32, #tpu.memory_space<vmem>> -> memref<72x128xf32, #tpu.memory_space<vmem>>
    %dma_start3A_221 = arith.constant 0 : i32
    %dma_start3A_222 = tpu.memref_slice %arg4[%multiple_of3A_156, %dma_start3A_221] : memref<200000x128xf32, #tpu.memory_space<hbm>> -> memref<72x128xf32, #tpu.memory_space<hbm>>
    %dma_start3A_223 = tpu.memref_slice %arg12[%dma_start3A_216] : memref<2x!tpu.dma_semaphore, #tpu.memory_space<semaphore_mem>> -> memref<1x!tpu.dma_semaphore, #tpu.memory_space<semaphore_mem>>
    %dma_start3A_224 = tpu.memref_squeeze %dma_start3A_223 : memref<1x!tpu.dma_semaphore, #tpu.memory_space<semaphore_mem>> -> memref<!tpu.dma_semaphore, #tpu.memory_space<semaphore_mem>>
    %dma_start3A_225 = arith.constant 0 : i32
    %dma_start3A_226 = arith.constant 0 : i32
    %dma_start3A_227 = tpu.memref_slice %arg10[%dma_start3A_214, %dma_start3A_215, %dma_start3A_225, %dma_start3A_226] : memref<2x4x72x128xf32, #tpu.memory_space<vmem>> -> memref<1x1x72x128xf32, #tpu.memory_space<vmem>>
    %dma_start3A_228 = tpu.memref_squeeze %dma_start3A_227 : memref<1x1x72x128xf32, #tpu.memory_space<vmem>> -> memref<72x128xf32, #tpu.memory_space<vmem>>
    %dma_start3A_229 = arith.constant 0 : i32
    %dma_start3A_230 = tpu.memref_slice %arg4[%multiple_of3A_156, %dma_start3A_229] : memref<200000x128xf32, #tpu.memory_space<hbm>> -> memref<72x128xf32, #tpu.memory_space<hbm>>
    tpu.enqueue_dma source(%dma_start3A_230 : memref<72x128xf32, #tpu.memory_space<hbm>>) target(%dma_start3A_228 : memref<72x128xf32, #tpu.memory_space<vmem>>) target_semaphore(%dma_start3A_224 : memref<!tpu.dma_semaphore, #tpu.memory_space<semaphore_mem>>)
    %dma_start3A_231 = arith.constant 1 : i32
    %dma_start3A_232 = arith.constant 2 : i32
    %dma_start3A_233 = arith.constant 1 : i32
    %dma_start3A_234 = arith.constant 0 : i32
    %dma_start3A_235 = arith.constant 0 : i32
    %dma_start3A_236 = tpu.memref_slice %arg10[%dma_start3A_231, %dma_start3A_232, %dma_start3A_234, %dma_start3A_235] : memref<2x4x72x128xf32, #tpu.memory_space<vmem>> -> memref<1x1x72x128xf32, #tpu.memory_space<vmem>>
    %dma_start3A_237 = tpu.memref_squeeze %dma_start3A_236 : memref<1x1x72x128xf32, #tpu.memory_space<vmem>> -> memref<72x128xf32, #tpu.memory_space<vmem>>
    %dma_start3A_238 = arith.constant 0 : i32
    %dma_start3A_239 = tpu.memref_slice %arg4[%multiple_of3A_158, %dma_start3A_238] : memref<200000x128xf32, #tpu.memory_space<hbm>> -> memref<72x128xf32, #tpu.memory_space<hbm>>
    %dma_start3A_240 = tpu.memref_slice %arg12[%dma_start3A_233] : memref<2x!tpu.dma_semaphore, #tpu.memory_space<semaphore_mem>> -> memref<1x!tpu.dma_semaphore, #tpu.memory_space<semaphore_mem>>
    %dma_start3A_241 = tpu.memref_squeeze %dma_start3A_240 : memref<1x!tpu.dma_semaphore, #tpu.memory_space<semaphore_mem>> -> memref<!tpu.dma_semaphore, #tpu.memory_space<semaphore_mem>>
    %dma_start3A_242 = arith.constant 0 : i32
    %dma_start3A_243 = arith.constant 0 : i32
    %dma_start3A_244 = tpu.memref_slice %arg10[%dma_start3A_231, %dma_start3A_232, %dma_start3A_242, %dma_start3A_243] : memref<2x4x72x128xf32, #tpu.memory_space<vmem>> -> memref<1x1x72x128xf32, #tpu.memory_space<vmem>>
    %dma_start3A_245 = tpu.memref_squeeze %dma_start3A_244 : memref<1x1x72x128xf32, #tpu.memory_space<vmem>> -> memref<72x128xf32, #tpu.memory_space<vmem>>
    %dma_start3A_246 = arith.constant 0 : i32
    %dma_start3A_247 = tpu.memref_slice %arg4[%multiple_of3A_158, %dma_start3A_246] : memref<200000x128xf32, #tpu.memory_space<hbm>> -> memref<72x128xf32, #tpu.memory_space<hbm>>
    tpu.enqueue_dma source(%dma_start3A_247 : memref<72x128xf32, #tpu.memory_space<hbm>>) target(%dma_start3A_245 : memref<72x128xf32, #tpu.memory_space<vmem>>) target_semaphore(%dma_start3A_241 : memref<!tpu.dma_semaphore, #tpu.memory_space<semaphore_mem>>)
    %dma_start3A_248 = arith.constant 1 : i32
    %dma_start3A_249 = arith.constant 3 : i32
    %dma_start3A_250 = arith.constant 1 : i32
    %dma_start3A_251 = arith.constant 0 : i32
    %dma_start3A_252 = arith.constant 0 : i32
    %dma_start3A_253 = tpu.memref_slice %arg10[%dma_start3A_248, %dma_start3A_249, %dma_start3A_251, %dma_start3A_252] : memref<2x4x72x128xf32, #tpu.memory_space<vmem>> -> memref<1x1x72x128xf32, #tpu.memory_space<vmem>>
    %dma_start3A_254 = tpu.memref_squeeze %dma_start3A_253 : memref<1x1x72x128xf32, #tpu.memory_space<vmem>> -> memref<72x128xf32, #tpu.memory_space<vmem>>
    %dma_start3A_255 = arith.constant 0 : i32
    %dma_start3A_256 = tpu.memref_slice %arg4[%multiple_of3A_160, %dma_start3A_255] : memref<200000x128xf32, #tpu.memory_space<hbm>> -> memref<72x128xf32, #tpu.memory_space<hbm>>
    %dma_start3A_257 = tpu.memref_slice %arg12[%dma_start3A_250] : memref<2x!tpu.dma_semaphore, #tpu.memory_space<semaphore_mem>> -> memref<1x!tpu.dma_semaphore, #tpu.memory_space<semaphore_mem>>
    %dma_start3A_258 = tpu.memref_squeeze %dma_start3A_257 : memref<1x!tpu.dma_semaphore, #tpu.memory_space<semaphore_mem>> -> memref<!tpu.dma_semaphore, #tpu.memory_space<semaphore_mem>>
    %dma_start3A_259 = arith.constant 0 : i32
    %dma_start3A_260 = arith.constant 0 : i32
    %dma_start3A_261 = tpu.memref_slice %arg10[%dma_start3A_248, %dma_start3A_249, %dma_start3A_259, %dma_start3A_260] : memref<2x4x72x128xf32, #tpu.memory_space<vmem>> -> memref<1x1x72x128xf32, #tpu.memory_space<vmem>>
    %dma_start3A_262 = tpu.memref_squeeze %dma_start3A_261 : memref<1x1x72x128xf32, #tpu.memory_space<vmem>> -> memref<72x128xf32, #tpu.memory_space<vmem>>
    %dma_start3A_263 = arith.constant 0 : i32
    %dma_start3A_264 = tpu.memref_slice %arg4[%multiple_of3A_160, %dma_start3A_263] : memref<200000x128xf32, #tpu.memory_space<hbm>> -> memref<72x128xf32, #tpu.memory_space<hbm>>
    tpu.enqueue_dma source(%dma_start3A_264 : memref<72x128xf32, #tpu.memory_space<hbm>>) target(%dma_start3A_262 : memref<72x128xf32, #tpu.memory_space<vmem>>) target_semaphore(%dma_start3A_258 : memref<!tpu.dma_semaphore, #tpu.memory_space<semaphore_mem>>)
    %scan3A = arith.constant 0 : i32
    %scan3A_265 = arith.constant 0 : i32
    %scan3A_266 = arith.constant 16 : i32
    %scan3A_267 = arith.addi %scan3A_265, %scan3A_266 : i32
    %scan3A_268 = arith.constant 1 : i32
    scf.for %scan3A_309 = %scan3A_265 to %scan3A_267 step %scan3A_268  : i32 {
      %rem3A = arith.constant 2 : i32
      %rem3A_310 = arith.remsi %scan3A_309, %rem3A : i32
      %mul3A_311 = arith.constant 64 : i32
      %mul3A_312 = arith.muli %scan3A_309, %mul3A_311 : i32
      %add3A_313 = arith.addi %mul3A_0, %mul3A_312 : i32
      %add3A_314 = arith.addi %sub3A, %add3A_313 : i32
      %multiple_of3A_315 = tpu.assume_multiple %add3A_314, 8 : i32
      %add3A_316 = arith.addi %sub3A_26, %add3A_313 : i32
      %multiple_of3A_317 = tpu.assume_multiple %add3A_316, 8 : i32
      %add3A_318 = arith.addi %sub3A_27, %add3A_313 : i32
      %multiple_of3A_319 = tpu.assume_multiple %add3A_318, 8 : i32
      %add3A_320 = arith.addi %sub3A_28, %add3A_313 : i32
      %multiple_of3A_321 = tpu.assume_multiple %add3A_320, 8 : i32
      %dma_wait3A_322 = arith.constant 0 : i32
      %dma_wait3A_323 = arith.constant 0 : i32
      %dma_wait3A_324 = tpu.memref_slice %arg9[%rem3A_310, %dma_wait3A_322, %dma_wait3A_323] : memref<2x64x128xf32, #tpu.memory_space<vmem>> -> memref<1x64x128xf32, #tpu.memory_space<vmem>>
      %dma_wait3A_325 = tpu.memref_squeeze %dma_wait3A_324 : memref<1x64x128xf32, #tpu.memory_space<vmem>> -> memref<64x128xf32, #tpu.memory_space<vmem>>
      %dma_wait3A_326 = arith.constant 0 : i32
      %dma_wait3A_327 = tpu.memref_slice %arg2[%arg1, %add3A_313, %dma_wait3A_326] : memref<16x2048x128xf32, #tpu.memory_space<hbm>> -> memref<1x64x128xf32, #tpu.memory_space<hbm>>
      %dma_wait3A_328 = tpu.memref_squeeze %dma_wait3A_327 : memref<1x64x128xf32, #tpu.memory_space<hbm>> -> memref<64x128xf32, #tpu.memory_space<hbm>>
      %dma_wait3A_329 = tpu.memref_slice %arg12[%rem3A_310] : memref<2x!tpu.dma_semaphore, #tpu.memory_space<semaphore_mem>> -> memref<1x!tpu.dma_semaphore, #tpu.memory_space<semaphore_mem>>
      %dma_wait3A_330 = tpu.memref_squeeze %dma_wait3A_329 : memref<1x!tpu.dma_semaphore, #tpu.memory_space<semaphore_mem>> -> memref<!tpu.dma_semaphore, #tpu.memory_space<semaphore_mem>>
      %dma_wait3A_331 = arith.constant 0 : i32
      %dma_wait3A_332 = arith.constant 0 : i32
      %dma_wait3A_333 = tpu.memref_slice %arg9[%rem3A_310, %dma_wait3A_331, %dma_wait3A_332] : memref<2x64x128xf32, #tpu.memory_space<vmem>> -> memref<1x64x128xf32, #tpu.memory_space<vmem>>
      %dma_wait3A_334 = tpu.memref_squeeze %dma_wait3A_333 : memref<1x64x128xf32, #tpu.memory_space<vmem>> -> memref<64x128xf32, #tpu.memory_space<vmem>>
      %dma_wait3A_335 = arith.constant 0 : i32
      %dma_wait3A_336 = tpu.memref_slice %arg2[%arg1, %add3A_313, %dma_wait3A_335] : memref<16x2048x128xf32, #tpu.memory_space<hbm>> -> memref<1x64x128xf32, #tpu.memory_space<hbm>>
      %dma_wait3A_337 = tpu.memref_squeeze %dma_wait3A_336 : memref<1x64x128xf32, #tpu.memory_space<hbm>> -> memref<64x128xf32, #tpu.memory_space<hbm>>
      tpu.wait_dma2 semaphore(%dma_wait3A_330 : memref<!tpu.dma_semaphore, #tpu.memory_space<semaphore_mem>>) src(%dma_wait3A_337 : memref<64x128xf32, #tpu.memory_space<hbm>>) dst(%dma_wait3A_334 : memref<64x128xf32, #tpu.memory_space<vmem>>)
      %dma_wait3A_338 = arith.constant 0 : i32
      %dma_wait3A_339 = arith.constant 0 : i32
      %dma_wait3A_340 = tpu.memref_slice %arg8[%rem3A_310, %dma_wait3A_338, %dma_wait3A_339] : memref<2x64x16xf32, #tpu.memory_space<vmem>> -> memref<1x64x16xf32, #tpu.memory_space<vmem>>
      %dma_wait3A_341 = tpu.memref_squeeze %dma_wait3A_340 : memref<1x64x16xf32, #tpu.memory_space<vmem>> -> memref<64x16xf32, #tpu.memory_space<vmem>>
      %dma_wait3A_342 = arith.constant 0 : i32
      %dma_wait3A_343 = tpu.memref_slice %arg3[%arg1, %add3A_313, %dma_wait3A_342] : memref<16x2048x16xf32, #tpu.memory_space<hbm>> -> memref<1x64x16xf32, #tpu.memory_space<hbm>>
      %dma_wait3A_344 = tpu.memref_squeeze %dma_wait3A_343 : memref<1x64x16xf32, #tpu.memory_space<hbm>> -> memref<64x16xf32, #tpu.memory_space<hbm>>
      %dma_wait3A_345 = tpu.memref_slice %arg12[%rem3A_310] : memref<2x!tpu.dma_semaphore, #tpu.memory_space<semaphore_mem>> -> memref<1x!tpu.dma_semaphore, #tpu.memory_space<semaphore_mem>>
      %dma_wait3A_346 = tpu.memref_squeeze %dma_wait3A_345 : memref<1x!tpu.dma_semaphore, #tpu.memory_space<semaphore_mem>> -> memref<!tpu.dma_semaphore, #tpu.memory_space<semaphore_mem>>
      %dma_wait3A_347 = arith.constant 0 : i32
      %dma_wait3A_348 = arith.constant 0 : i32
      %dma_wait3A_349 = tpu.memref_slice %arg8[%rem3A_310, %dma_wait3A_347, %dma_wait3A_348] : memref<2x64x16xf32, #tpu.memory_space<vmem>> -> memref<1x64x16xf32, #tpu.memory_space<vmem>>
      %dma_wait3A_350 = tpu.memref_squeeze %dma_wait3A_349 : memref<1x64x16xf32, #tpu.memory_space<vmem>> -> memref<64x16xf32, #tpu.memory_space<vmem>>
      %dma_wait3A_351 = arith.constant 0 : i32
      %dma_wait3A_352 = tpu.memref_slice %arg3[%arg1, %add3A_313, %dma_wait3A_351] : memref<16x2048x16xf32, #tpu.memory_space<hbm>> -> memref<1x64x16xf32, #tpu.memory_space<hbm>>
      %dma_wait3A_353 = tpu.memref_squeeze %dma_wait3A_352 : memref<1x64x16xf32, #tpu.memory_space<hbm>> -> memref<64x16xf32, #tpu.memory_space<hbm>>
      tpu.wait_dma2 semaphore(%dma_wait3A_346 : memref<!tpu.dma_semaphore, #tpu.memory_space<semaphore_mem>>) src(%dma_wait3A_353 : memref<64x16xf32, #tpu.memory_space<hbm>>) dst(%dma_wait3A_350 : memref<64x16xf32, #tpu.memory_space<vmem>>)
      %dma_wait3A_354 = arith.constant 0 : i32
      %dma_wait3A_355 = arith.constant 0 : i32
      %dma_wait3A_356 = arith.constant 0 : i32
      %dma_wait3A_357 = tpu.memref_slice %arg10[%rem3A_310, %dma_wait3A_354, %dma_wait3A_355, %dma_wait3A_356] : memref<2x4x72x128xf32, #tpu.memory_space<vmem>> -> memref<1x1x72x128xf32, #tpu.memory_space<vmem>>
      %dma_wait3A_358 = tpu.memref_squeeze %dma_wait3A_357 : memref<1x1x72x128xf32, #tpu.memory_space<vmem>> -> memref<72x128xf32, #tpu.memory_space<vmem>>
      %dma_wait3A_359 = arith.constant 0 : i32
      %dma_wait3A_360 = tpu.memref_slice %arg4[%multiple_of3A_315, %dma_wait3A_359] : memref<200000x128xf32, #tpu.memory_space<hbm>> -> memref<72x128xf32, #tpu.memory_space<hbm>>
      %dma_wait3A_361 = tpu.memref_slice %arg12[%rem3A_310] : memref<2x!tpu.dma_semaphore, #tpu.memory_space<semaphore_mem>> -> memref<1x!tpu.dma_semaphore, #tpu.memory_space<semaphore_mem>>
      %dma_wait3A_362 = tpu.memref_squeeze %dma_wait3A_361 : memref<1x!tpu.dma_semaphore, #tpu.memory_space<semaphore_mem>> -> memref<!tpu.dma_semaphore, #tpu.memory_space<semaphore_mem>>
      %dma_wait3A_363 = arith.constant 0 : i32
      %dma_wait3A_364 = arith.constant 0 : i32
      %dma_wait3A_365 = tpu.memref_slice %arg10[%rem3A_310, %dma_wait3A_354, %dma_wait3A_363, %dma_wait3A_364] : memref<2x4x72x128xf32, #tpu.memory_space<vmem>> -> memref<1x1x72x128xf32, #tpu.memory_space<vmem>>
      %dma_wait3A_366 = tpu.memref_squeeze %dma_wait3A_365 : memref<1x1x72x128xf32, #tpu.memory_space<vmem>> -> memref<72x128xf32, #tpu.memory_space<vmem>>
      %dma_wait3A_367 = arith.constant 0 : i32
      %dma_wait3A_368 = tpu.memref_slice %arg4[%multiple_of3A_315, %dma_wait3A_367] : memref<200000x128xf32, #tpu.memory_space<hbm>> -> memref<72x128xf32, #tpu.memory_space<hbm>>
      tpu.wait_dma2 semaphore(%dma_wait3A_362 : memref<!tpu.dma_semaphore, #tpu.memory_space<semaphore_mem>>) src(%dma_wait3A_368 : memref<72x128xf32, #tpu.memory_space<hbm>>) dst(%dma_wait3A_366 : memref<72x128xf32, #tpu.memory_space<vmem>>)
      %dma_wait3A_369 = arith.constant 1 : i32
      %dma_wait3A_370 = arith.constant 0 : i32
      %dma_wait3A_371 = arith.constant 0 : i32
      %dma_wait3A_372 = tpu.memref_slice %arg10[%rem3A_310, %dma_wait3A_369, %dma_wait3A_370, %dma_wait3A_371] : memref<2x4x72x128xf32, #tpu.memory_space<vmem>> -> memref<1x1x72x128xf32, #tpu.memory_space<vmem>>
      %dma_wait3A_373 = tpu.memref_squeeze %dma_wait3A_372 : memref<1x1x72x128xf32, #tpu.memory_space<vmem>> -> memref<72x128xf32, #tpu.memory_space<vmem>>
      %dma_wait3A_374 = arith.constant 0 : i32
      %dma_wait3A_375 = tpu.memref_slice %arg4[%multiple_of3A_317, %dma_wait3A_374] : memref<200000x128xf32, #tpu.memory_space<hbm>> -> memref<72x128xf32, #tpu.memory_space<hbm>>
      %dma_wait3A_376 = tpu.memref_slice %arg12[%rem3A_310] : memref<2x!tpu.dma_semaphore, #tpu.memory_space<semaphore_mem>> -> memref<1x!tpu.dma_semaphore, #tpu.memory_space<semaphore_mem>>
      %dma_wait3A_377 = tpu.memref_squeeze %dma_wait3A_376 : memref<1x!tpu.dma_semaphore, #tpu.memory_space<semaphore_mem>> -> memref<!tpu.dma_semaphore, #tpu.memory_space<semaphore_mem>>
      %dma_wait3A_378 = arith.constant 0 : i32
      %dma_wait3A_379 = arith.constant 0 : i32
      %dma_wait3A_380 = tpu.memref_slice %arg10[%rem3A_310, %dma_wait3A_369, %dma_wait3A_378, %dma_wait3A_379] : memref<2x4x72x128xf32, #tpu.memory_space<vmem>> -> memref<1x1x72x128xf32, #tpu.memory_space<vmem>>
      %dma_wait3A_381 = tpu.memref_squeeze %dma_wait3A_380 : memref<1x1x72x128xf32, #tpu.memory_space<vmem>> -> memref<72x128xf32, #tpu.memory_space<vmem>>
      %dma_wait3A_382 = arith.constant 0 : i32
      %dma_wait3A_383 = tpu.memref_slice %arg4[%multiple_of3A_317, %dma_wait3A_382] : memref<200000x128xf32, #tpu.memory_space<hbm>> -> memref<72x128xf32, #tpu.memory_space<hbm>>
      tpu.wait_dma2 semaphore(%dma_wait3A_377 : memref<!tpu.dma_semaphore, #tpu.memory_space<semaphore_mem>>) src(%dma_wait3A_383 : memref<72x128xf32, #tpu.memory_space<hbm>>) dst(%dma_wait3A_381 : memref<72x128xf32, #tpu.memory_space<vmem>>)
      %dma_wait3A_384 = arith.constant 2 : i32
      %dma_wait3A_385 = arith.constant 0 : i32
      %dma_wait3A_386 = arith.constant 0 : i32
      %dma_wait3A_387 = tpu.memref_slice %arg10[%rem3A_310, %dma_wait3A_384, %dma_wait3A_385, %dma_wait3A_386] : memref<2x4x72x128xf32, #tpu.memory_space<vmem>> -> memref<1x1x72x128xf32, #tpu.memory_space<vmem>>
      %dma_wait3A_388 = tpu.memref_squeeze %dma_wait3A_387 : memref<1x1x72x128xf32, #tpu.memory_space<vmem>> -> memref<72x128xf32, #tpu.memory_space<vmem>>
      %dma_wait3A_389 = arith.constant 0 : i32
      %dma_wait3A_390 = tpu.memref_slice %arg4[%multiple_of3A_319, %dma_wait3A_389] : memref<200000x128xf32, #tpu.memory_space<hbm>> -> memref<72x128xf32, #tpu.memory_space<hbm>>
      %dma_wait3A_391 = tpu.memref_slice %arg12[%rem3A_310] : memref<2x!tpu.dma_semaphore, #tpu.memory_space<semaphore_mem>> -> memref<1x!tpu.dma_semaphore, #tpu.memory_space<semaphore_mem>>
      %dma_wait3A_392 = tpu.memref_squeeze %dma_wait3A_391 : memref<1x!tpu.dma_semaphore, #tpu.memory_space<semaphore_mem>> -> memref<!tpu.dma_semaphore, #tpu.memory_space<semaphore_mem>>
      %dma_wait3A_393 = arith.constant 0 : i32
      %dma_wait3A_394 = arith.constant 0 : i32
      %dma_wait3A_395 = tpu.memref_slice %arg10[%rem3A_310, %dma_wait3A_384, %dma_wait3A_393, %dma_wait3A_394] : memref<2x4x72x128xf32, #tpu.memory_space<vmem>> -> memref<1x1x72x128xf32, #tpu.memory_space<vmem>>
      %dma_wait3A_396 = tpu.memref_squeeze %dma_wait3A_395 : memref<1x1x72x128xf32, #tpu.memory_space<vmem>> -> memref<72x128xf32, #tpu.memory_space<vmem>>
      %dma_wait3A_397 = arith.constant 0 : i32
      %dma_wait3A_398 = tpu.memref_slice %arg4[%multiple_of3A_319, %dma_wait3A_397] : memref<200000x128xf32, #tpu.memory_space<hbm>> -> memref<72x128xf32, #tpu.memory_space<hbm>>
      tpu.wait_dma2 semaphore(%dma_wait3A_392 : memref<!tpu.dma_semaphore, #tpu.memory_space<semaphore_mem>>) src(%dma_wait3A_398 : memref<72x128xf32, #tpu.memory_space<hbm>>) dst(%dma_wait3A_396 : memref<72x128xf32, #tpu.memory_space<vmem>>)
      %dma_wait3A_399 = arith.constant 3 : i32
      %dma_wait3A_400 = arith.constant 0 : i32
      %dma_wait3A_401 = arith.constant 0 : i32
      %dma_wait3A_402 = tpu.memref_slice %arg10[%rem3A_310, %dma_wait3A_399, %dma_wait3A_400, %dma_wait3A_401] : memref<2x4x72x128xf32, #tpu.memory_space<vmem>> -> memref<1x1x72x128xf32, #tpu.memory_space<vmem>>
      %dma_wait3A_403 = tpu.memref_squeeze %dma_wait3A_402 : memref<1x1x72x128xf32, #tpu.memory_space<vmem>> -> memref<72x128xf32, #tpu.memory_space<vmem>>
      %dma_wait3A_404 = arith.constant 0 : i32
      %dma_wait3A_405 = tpu.memref_slice %arg4[%multiple_of3A_321, %dma_wait3A_404] : memref<200000x128xf32, #tpu.memory_space<hbm>> -> memref<72x128xf32, #tpu.memory_space<hbm>>
      %dma_wait3A_406 = tpu.memref_slice %arg12[%rem3A_310] : memref<2x!tpu.dma_semaphore, #tpu.memory_space<semaphore_mem>> -> memref<1x!tpu.dma_semaphore, #tpu.memory_space<semaphore_mem>>
      %dma_wait3A_407 = tpu.memref_squeeze %dma_wait3A_406 : memref<1x!tpu.dma_semaphore, #tpu.memory_space<semaphore_mem>> -> memref<!tpu.dma_semaphore, #tpu.memory_space<semaphore_mem>>
      %dma_wait3A_408 = arith.constant 0 : i32
      %dma_wait3A_409 = arith.constant 0 : i32
      %dma_wait3A_410 = tpu.memref_slice %arg10[%rem3A_310, %dma_wait3A_399, %dma_wait3A_408, %dma_wait3A_409] : memref<2x4x72x128xf32, #tpu.memory_space<vmem>> -> memref<1x1x72x128xf32, #tpu.memory_space<vmem>>
      %dma_wait3A_411 = tpu.memref_squeeze %dma_wait3A_410 : memref<1x1x72x128xf32, #tpu.memory_space<vmem>> -> memref<72x128xf32, #tpu.memory_space<vmem>>
      %dma_wait3A_412 = arith.constant 0 : i32
      %dma_wait3A_413 = tpu.memref_slice %arg4[%multiple_of3A_321, %dma_wait3A_412] : memref<200000x128xf32, #tpu.memory_space<hbm>> -> memref<72x128xf32, #tpu.memory_space<hbm>>
      tpu.wait_dma2 semaphore(%dma_wait3A_407 : memref<!tpu.dma_semaphore, #tpu.memory_space<semaphore_mem>>) src(%dma_wait3A_413 : memref<72x128xf32, #tpu.memory_space<hbm>>) dst(%dma_wait3A_411 : memref<72x128xf32, #tpu.memory_space<vmem>>)
      %ge3A = arith.constant 2 : i32
      %ge3A_414 = arith.cmpi sge, %scan3A_309, %ge3A : i32
      %convert_element_type3A_415 = arith.extui %ge3A_414 : i1 to i32
      %cond3A = arith.constant 0 : i32
      %cond3A_416 = arith.cmpi ne, %convert_element_type3A_415, %cond3A : i32
      scf.if %cond3A_416 {
        %sub3A_444 = arith.constant 2 : i32
        %sub3A_445 = arith.subi %scan3A_309, %sub3A_444 : i32
        %mul3A_446 = arith.constant 64 : i32
        %mul3A_447 = arith.muli %sub3A_445, %mul3A_446 : i32
        %add3A_448 = arith.addi %mul3A_0, %mul3A_447 : i32
        %dma_wait3A_449 = arith.constant 0 : i32
        %dma_wait3A_450 = arith.constant 0 : i32
        %dma_wait3A_451 = tpu.memref_slice %arg11[%rem3A_310, %dma_wait3A_449, %dma_wait3A_450] : memref<2x64x128xf32, #tpu.memory_space<vmem>> -> memref<1x64x128xf32, #tpu.memory_space<vmem>>
        %dma_wait3A_452 = tpu.memref_squeeze %dma_wait3A_451 : memref<1x64x128xf32, #tpu.memory_space<vmem>> -> memref<64x128xf32, #tpu.memory_space<vmem>>
        %dma_wait3A_453 = arith.constant 0 : i32
        %dma_wait3A_454 = tpu.memref_slice %arg6[%arg1, %add3A_448, %dma_wait3A_453] : memref<16x2048x128xf32, #tpu.memory_space<hbm>> -> memref<1x64x128xf32, #tpu.memory_space<hbm>>
        %dma_wait3A_455 = tpu.memref_squeeze %dma_wait3A_454 : memref<1x64x128xf32, #tpu.memory_space<hbm>> -> memref<64x128xf32, #tpu.memory_space<hbm>>
        %dma_wait3A_456 = tpu.memref_slice %arg13[%rem3A_310] : memref<2x!tpu.dma_semaphore, #tpu.memory_space<semaphore_mem>> -> memref<1x!tpu.dma_semaphore, #tpu.memory_space<semaphore_mem>>
        %dma_wait3A_457 = tpu.memref_squeeze %dma_wait3A_456 : memref<1x!tpu.dma_semaphore, #tpu.memory_space<semaphore_mem>> -> memref<!tpu.dma_semaphore, #tpu.memory_space<semaphore_mem>>
        %dma_wait3A_458 = arith.constant 0 : i32
        %dma_wait3A_459 = tpu.memref_slice %arg6[%arg1, %add3A_448, %dma_wait3A_458] : memref<16x2048x128xf32, #tpu.memory_space<hbm>> -> memref<1x64x128xf32, #tpu.memory_space<hbm>>
        %dma_wait3A_460 = tpu.memref_squeeze %dma_wait3A_459 : memref<1x64x128xf32, #tpu.memory_space<hbm>> -> memref<64x128xf32, #tpu.memory_space<hbm>>
        %dma_wait3A_461 = arith.constant 0 : i32
        %dma_wait3A_462 = arith.constant 0 : i32
        %dma_wait3A_463 = tpu.memref_slice %arg11[%rem3A_310, %dma_wait3A_461, %dma_wait3A_462] : memref<2x64x128xf32, #tpu.memory_space<vmem>> -> memref<1x64x128xf32, #tpu.memory_space<vmem>>
        %dma_wait3A_464 = tpu.memref_squeeze %dma_wait3A_463 : memref<1x64x128xf32, #tpu.memory_space<vmem>> -> memref<64x128xf32, #tpu.memory_space<vmem>>
        tpu.wait_dma2 semaphore(%dma_wait3A_457 : memref<!tpu.dma_semaphore, #tpu.memory_space<semaphore_mem>>) src(%dma_wait3A_464 : memref<64x128xf32, #tpu.memory_space<vmem>>) dst(%dma_wait3A_460 : memref<64x128xf32, #tpu.memory_space<hbm>>)
      } else {
      }
      %parallel_loop3A = arith.constant 0 : i32
      %parallel_loop3A_417 = arith.constant 64 : i32
      %parallel_loop3A_418 = arith.constant 1 : i32
      scf.for %parallel_loop3A_444 = %parallel_loop3A to %parallel_loop3A_417 step %parallel_loop3A_418  : i32 {
        %parallel_loop3A_445 = arith.index_cast %rem3A_310 : i32 to index
        %parallel_loop3A_446 = arith.index_cast %parallel_loop3A_444 : i32 to index
        %parallel_loop3A_447 = arith.constant 0 : index
        %parallel_loop3A_448 = tpu.vector_load %arg8[%parallel_loop3A_445, %parallel_loop3A_446, %parallel_loop3A_447] {strides = array<i32>} : memref<2x64x16xf32, #tpu.memory_space<vmem>>, vector<1x1x16xf32>,
        %parallel_loop3A_449 = vector.shape_cast %parallel_loop3A_448 : vector<1x1x16xf32> to vector<16xf32>
        %parallel_loop3A_450 = arith.mulf %broadcast_in_dim3A, %parallel_loop3A_449 : vector<16xf32>
        %parallel_loop3A_451 = arith.mulf %broadcast_in_dim3A_33, %parallel_loop3A_449 : vector<16xf32>
        %parallel_loop3A_452 = arith.mulf %broadcast_in_dim3A_36, %parallel_loop3A_449 : vector<16xf32>
        %parallel_loop3A_453 = arith.mulf %broadcast_in_dim3A_39, %parallel_loop3A_449 : vector<16xf32>
        %parallel_loop3A_454 = arith.addi %parallel_loop3A_444, %and3A_19 : i32
        %parallel_loop3A_455 = arith.addi %parallel_loop3A_444, %and3A_21 : i32
        %parallel_loop3A_456 = arith.addi %parallel_loop3A_444, %and3A_23 : i32
        %parallel_loop3A_457 = arith.addi %parallel_loop3A_444, %and3A_25 : i32
        %parallel_loop3A_458 = arith.constant 0 : i32
        %parallel_loop3A_459 = arith.index_cast %rem3A_310 : i32 to index
        %parallel_loop3A_460 = arith.index_cast %parallel_loop3A_458 : i32 to index
        %parallel_loop3A_461 = arith.index_cast %parallel_loop3A_454 : i32 to index
        %parallel_loop3A_462 = arith.constant 0 : index
        %parallel_loop3A_463 = tpu.vector_load %arg10[%parallel_loop3A_459, %parallel_loop3A_460, %parallel_loop3A_461, %parallel_loop3A_462] {strides = array<i32>} : memref<2x4x72x128xf32, #tpu.memory_space<vmem>>, vector<1x1x1x16xf32>,
        %parallel_loop3A_464 = vector.shape_cast %parallel_loop3A_463 : vector<1x1x1x16xf32> to vector<16xf32>
        %parallel_loop3A_465 = arith.mulf %parallel_loop3A_450, %parallel_loop3A_464 : vector<16xf32>
        %parallel_loop3A_466 = arith.constant 1 : i32
        %parallel_loop3A_467 = arith.index_cast %rem3A_310 : i32 to index
        %parallel_loop3A_468 = arith.index_cast %parallel_loop3A_466 : i32 to index
        %parallel_loop3A_469 = arith.index_cast %parallel_loop3A_455 : i32 to index
        %parallel_loop3A_470 = arith.constant 0 : index
        %parallel_loop3A_471 = tpu.vector_load %arg10[%parallel_loop3A_467, %parallel_loop3A_468, %parallel_loop3A_469, %parallel_loop3A_470] {strides = array<i32>} : memref<2x4x72x128xf32, #tpu.memory_space<vmem>>, vector<1x1x1x16xf32>,
        %parallel_loop3A_472 = vector.shape_cast %parallel_loop3A_471 : vector<1x1x1x16xf32> to vector<16xf32>
        %parallel_loop3A_473 = arith.mulf %parallel_loop3A_451, %parallel_loop3A_472 : vector<16xf32>
        %parallel_loop3A_474 = arith.constant 2 : i32
        %parallel_loop3A_475 = arith.index_cast %rem3A_310 : i32 to index
        %parallel_loop3A_476 = arith.index_cast %parallel_loop3A_474 : i32 to index
        %parallel_loop3A_477 = arith.index_cast %parallel_loop3A_456 : i32 to index
        %parallel_loop3A_478 = arith.constant 0 : index
        %parallel_loop3A_479 = tpu.vector_load %arg10[%parallel_loop3A_475, %parallel_loop3A_476, %parallel_loop3A_477, %parallel_loop3A_478] {strides = array<i32>} : memref<2x4x72x128xf32, #tpu.memory_space<vmem>>, vector<1x1x1x16xf32>,
        %parallel_loop3A_480 = vector.shape_cast %parallel_loop3A_479 : vector<1x1x1x16xf32> to vector<16xf32>
        %parallel_loop3A_481 = arith.mulf %parallel_loop3A_452, %parallel_loop3A_480 : vector<16xf32>
        %parallel_loop3A_482 = arith.constant 3 : i32
        %parallel_loop3A_483 = arith.index_cast %rem3A_310 : i32 to index
        %parallel_loop3A_484 = arith.index_cast %parallel_loop3A_482 : i32 to index
        %parallel_loop3A_485 = arith.index_cast %parallel_loop3A_457 : i32 to index
        %parallel_loop3A_486 = arith.constant 0 : index
        %parallel_loop3A_487 = tpu.vector_load %arg10[%parallel_loop3A_483, %parallel_loop3A_484, %parallel_loop3A_485, %parallel_loop3A_486] {strides = array<i32>} : memref<2x4x72x128xf32, #tpu.memory_space<vmem>>, vector<1x1x1x16xf32>,
        %parallel_loop3A_488 = vector.shape_cast %parallel_loop3A_487 : vector<1x1x1x16xf32> to vector<16xf32>
        %parallel_loop3A_489 = arith.mulf %parallel_loop3A_453, %parallel_loop3A_488 : vector<16xf32>
        %parallel_loop3A_490 = arith.index_cast %rem3A_310 : i32 to index
        %parallel_loop3A_491 = arith.index_cast %parallel_loop3A_444 : i32 to index
        %parallel_loop3A_492 = arith.constant 0 : index
        %parallel_loop3A_493 = tpu.vector_load %arg9[%parallel_loop3A_490, %parallel_loop3A_491, %parallel_loop3A_492] {strides = array<i32>} : memref<2x64x128xf32, #tpu.memory_space<vmem>>, vector<1x1x16xf32>,
        %parallel_loop3A_494 = vector.shape_cast %parallel_loop3A_493 : vector<1x1x16xf32> to vector<16xf32>
        %parallel_loop3A_495 = arith.addf %parallel_loop3A_465, %parallel_loop3A_473 : vector<16xf32>
        %parallel_loop3A_496 = arith.addf %parallel_loop3A_481, %parallel_loop3A_489 : vector<16xf32>
        %parallel_loop3A_497 = arith.addf %parallel_loop3A_495, %parallel_loop3A_496 : vector<16xf32>
        %parallel_loop3A_498 = arith.addf %parallel_loop3A_494, %parallel_loop3A_497 : vector<16xf32>
        %parallel_loop3A_499 = arith.index_cast %rem3A_310 : i32 to index
        %parallel_loop3A_500 = arith.index_cast %parallel_loop3A_444 : i32 to index
        %parallel_loop3A_501 = arith.constant 0 : index
        %parallel_loop3A_502 = tpu.vector_load %arg11[%parallel_loop3A_499, %parallel_loop3A_500, %parallel_loop3A_501] {strides = array<i32>} : memref<2x64x128xf32, #tpu.memory_space<vmem>>, vector<1x1x16xf32>,
        %parallel_loop3A_503 = vector.shape_cast %parallel_loop3A_502 : vector<1x1x16xf32> to vector<16xf32>
        %parallel_loop3A_504 = vector.shape_cast %parallel_loop3A_498 : vector<16xf32> to vector<1x1x16xf32>
        tpu.vector_store %arg11[%parallel_loop3A_499, %parallel_loop3A_500, %parallel_loop3A_501], %parallel_loop3A_504 {strides = array<i32>} : memref<2x64x128xf32, #tpu.memory_space<vmem>>, vector<1x1x16xf32>,
        %parallel_loop3A_505 = arith.constant 0 : i32
        %parallel_loop3A_506 = arith.index_cast %rem3A_310 : i32 to index
        %parallel_loop3A_507 = arith.index_cast %parallel_loop3A_505 : i32 to index
        %parallel_loop3A_508 = arith.index_cast %parallel_loop3A_454 : i32 to index
        %parallel_loop3A_509 = arith.constant 16 : index
        %parallel_loop3A_510 = tpu.vector_load %arg10[%parallel_loop3A_506, %parallel_loop3A_507, %parallel_loop3A_508, %parallel_loop3A_509] {strides = array<i32>} : memref<2x4x72x128xf32, #tpu.memory_space<vmem>>, vector<1x1x1x16xf32>,
        %parallel_loop3A_511 = vector.shape_cast %parallel_loop3A_510 : vector<1x1x1x16xf32> to vector<16xf32>
        %parallel_loop3A_512 = arith.mulf %parallel_loop3A_450, %parallel_loop3A_511 : vector<16xf32>
        %parallel_loop3A_513 = arith.constant 1 : i32
        %parallel_loop3A_514 = arith.index_cast %rem3A_310 : i32 to index
        %parallel_loop3A_515 = arith.index_cast %parallel_loop3A_513 : i32 to index
        %parallel_loop3A_516 = arith.index_cast %parallel_loop3A_455 : i32 to index
        %parallel_loop3A_517 = arith.constant 16 : index
        %parallel_loop3A_518 = tpu.vector_load %arg10[%parallel_loop3A_514, %parallel_loop3A_515, %parallel_loop3A_516, %parallel_loop3A_517] {strides = array<i32>} : memref<2x4x72x128xf32, #tpu.memory_space<vmem>>, vector<1x1x1x16xf32>,
        %parallel_loop3A_519 = vector.shape_cast %parallel_loop3A_518 : vector<1x1x1x16xf32> to vector<16xf32>
        %parallel_loop3A_520 = arith.mulf %parallel_loop3A_451, %parallel_loop3A_519 : vector<16xf32>
        %parallel_loop3A_521 = arith.constant 2 : i32
        %parallel_loop3A_522 = arith.index_cast %rem3A_310 : i32 to index
        %parallel_loop3A_523 = arith.index_cast %parallel_loop3A_521 : i32 to index
        %parallel_loop3A_524 = arith.index_cast %parallel_loop3A_456 : i32 to index
        %parallel_loop3A_525 = arith.constant 16 : index
        %parallel_loop3A_526 = tpu.vector_load %arg10[%parallel_loop3A_522, %parallel_loop3A_523, %parallel_loop3A_524, %parallel_loop3A_525] {strides = array<i32>} : memref<2x4x72x128xf32, #tpu.memory_space<vmem>>, vector<1x1x1x16xf32>,
        %parallel_loop3A_527 = vector.shape_cast %parallel_loop3A_526 : vector<1x1x1x16xf32> to vector<16xf32>
        %parallel_loop3A_528 = arith.mulf %parallel_loop3A_452, %parallel_loop3A_527 : vector<16xf32>
        %parallel_loop3A_529 = arith.constant 3 : i32
        %parallel_loop3A_530 = arith.index_cast %rem3A_310 : i32 to index
        %parallel_loop3A_531 = arith.index_cast %parallel_loop3A_529 : i32 to index
        %parallel_loop3A_532 = arith.index_cast %parallel_loop3A_457 : i32 to index
        %parallel_loop3A_533 = arith.constant 16 : index
        %parallel_loop3A_534 = tpu.vector_load %arg10[%parallel_loop3A_530, %parallel_loop3A_531, %parallel_loop3A_532, %parallel_loop3A_533] {strides = array<i32>} : memref<2x4x72x128xf32, #tpu.memory_space<vmem>>, vector<1x1x1x16xf32>,
        %parallel_loop3A_535 = vector.shape_cast %parallel_loop3A_534 : vector<1x1x1x16xf32> to vector<16xf32>
        %parallel_loop3A_536 = arith.mulf %parallel_loop3A_453, %parallel_loop3A_535 : vector<16xf32>
        %parallel_loop3A_537 = arith.index_cast %rem3A_310 : i32 to index
        %parallel_loop3A_538 = arith.index_cast %parallel_loop3A_444 : i32 to index
        %parallel_loop3A_539 = arith.constant 16 : index
        %parallel_loop3A_540 = tpu.vector_load %arg9[%parallel_loop3A_537, %parallel_loop3A_538, %parallel_loop3A_539] {strides = array<i32>} : memref<2x64x128xf32, #tpu.memory_space<vmem>>, vector<1x1x16xf32>,
        %parallel_loop3A_541 = vector.shape_cast %parallel_loop3A_540 : vector<1x1x16xf32> to vector<16xf32>
        %parallel_loop3A_542 = arith.addf %parallel_loop3A_512, %parallel_loop3A_520 : vector<16xf32>
        %parallel_loop3A_543 = arith.addf %parallel_loop3A_528, %parallel_loop3A_536 : vector<16xf32>
        %parallel_loop3A_544 = arith.addf %parallel_loop3A_542, %parallel_loop3A_543 : vector<16xf32>
        %parallel_loop3A_545 = arith.addf %parallel_loop3A_541, %parallel_loop3A_544 : vector<16xf32>
        %parallel_loop3A_546 = arith.index_cast %rem3A_310 : i32 to index
        %parallel_loop3A_547 = arith.index_cast %parallel_loop3A_444 : i32 to index
        %parallel_loop3A_548 = arith.constant 16 : index
        %parallel_loop3A_549 = tpu.vector_load %arg11[%parallel_loop3A_546, %parallel_loop3A_547, %parallel_loop3A_548] {strides = array<i32>} : memref<2x64x128xf32, #tpu.memory_space<vmem>>, vector<1x1x16xf32>,
        %parallel_loop3A_550 = vector.shape_cast %parallel_loop3A_549 : vector<1x1x16xf32> to vector<16xf32>
        %parallel_loop3A_551 = vector.shape_cast %parallel_loop3A_545 : vector<16xf32> to vector<1x1x16xf32>
        tpu.vector_store %arg11[%parallel_loop3A_546, %parallel_loop3A_547, %parallel_loop3A_548], %parallel_loop3A_551 {strides = array<i32>} : memref<2x64x128xf32, #tpu.memory_space<vmem>>, vector<1x1x16xf32>,
        %parallel_loop3A_552 = arith.constant 0 : i32
        %parallel_loop3A_553 = arith.index_cast %rem3A_310 : i32 to index
        %parallel_loop3A_554 = arith.index_cast %parallel_loop3A_552 : i32 to index
        %parallel_loop3A_555 = arith.index_cast %parallel_loop3A_454 : i32 to index
        %parallel_loop3A_556 = arith.constant 32 : index
        %parallel_loop3A_557 = tpu.vector_load %arg10[%parallel_loop3A_553, %parallel_loop3A_554, %parallel_loop3A_555, %parallel_loop3A_556] {strides = array<i32>} : memref<2x4x72x128xf32, #tpu.memory_space<vmem>>, vector<1x1x1x16xf32>,
        %parallel_loop3A_558 = vector.shape_cast %parallel_loop3A_557 : vector<1x1x1x16xf32> to vector<16xf32>
        %parallel_loop3A_559 = arith.mulf %parallel_loop3A_450, %parallel_loop3A_558 : vector<16xf32>
        %parallel_loop3A_560 = arith.constant 1 : i32
        %parallel_loop3A_561 = arith.index_cast %rem3A_310 : i32 to index
        %parallel_loop3A_562 = arith.index_cast %parallel_loop3A_560 : i32 to index
        %parallel_loop3A_563 = arith.index_cast %parallel_loop3A_455 : i32 to index
        %parallel_loop3A_564 = arith.constant 32 : index
        %parallel_loop3A_565 = tpu.vector_load %arg10[%parallel_loop3A_561, %parallel_loop3A_562, %parallel_loop3A_563, %parallel_loop3A_564] {strides = array<i32>} : memref<2x4x72x128xf32, #tpu.memory_space<vmem>>, vector<1x1x1x16xf32>,
        %parallel_loop3A_566 = vector.shape_cast %parallel_loop3A_565 : vector<1x1x1x16xf32> to vector<16xf32>
        %parallel_loop3A_567 = arith.mulf %parallel_loop3A_451, %parallel_loop3A_566 : vector<16xf32>
        %parallel_loop3A_568 = arith.constant 2 : i32
        %parallel_loop3A_569 = arith.index_cast %rem3A_310 : i32 to index
        %parallel_loop3A_570 = arith.index_cast %parallel_loop3A_568 : i32 to index
        %parallel_loop3A_571 = arith.index_cast %parallel_loop3A_456 : i32 to index
        %parallel_loop3A_572 = arith.constant 32 : index
        %parallel_loop3A_573 = tpu.vector_load %arg10[%parallel_loop3A_569, %parallel_loop3A_570, %parallel_loop3A_571, %parallel_loop3A_572] {strides = array<i32>} : memref<2x4x72x128xf32, #tpu.memory_space<vmem>>, vector<1x1x1x16xf32>,
        %parallel_loop3A_574 = vector.shape_cast %parallel_loop3A_573 : vector<1x1x1x16xf32> to vector<16xf32>
        %parallel_loop3A_575 = arith.mulf %parallel_loop3A_452, %parallel_loop3A_574 : vector<16xf32>
        %parallel_loop3A_576 = arith.constant 3 : i32
        %parallel_loop3A_577 = arith.index_cast %rem3A_310 : i32 to index
        %parallel_loop3A_578 = arith.index_cast %parallel_loop3A_576 : i32 to index
        %parallel_loop3A_579 = arith.index_cast %parallel_loop3A_457 : i32 to index
        %parallel_loop3A_580 = arith.constant 32 : index
        %parallel_loop3A_581 = tpu.vector_load %arg10[%parallel_loop3A_577, %parallel_loop3A_578, %parallel_loop3A_579, %parallel_loop3A_580] {strides = array<i32>} : memref<2x4x72x128xf32, #tpu.memory_space<vmem>>, vector<1x1x1x16xf32>,
        %parallel_loop3A_582 = vector.shape_cast %parallel_loop3A_581 : vector<1x1x1x16xf32> to vector<16xf32>
        %parallel_loop3A_583 = arith.mulf %parallel_loop3A_453, %parallel_loop3A_582 : vector<16xf32>
        %parallel_loop3A_584 = arith.index_cast %rem3A_310 : i32 to index
        %parallel_loop3A_585 = arith.index_cast %parallel_loop3A_444 : i32 to index
        %parallel_loop3A_586 = arith.constant 32 : index
        %parallel_loop3A_587 = tpu.vector_load %arg9[%parallel_loop3A_584, %parallel_loop3A_585, %parallel_loop3A_586] {strides = array<i32>} : memref<2x64x128xf32, #tpu.memory_space<vmem>>, vector<1x1x16xf32>,
        %parallel_loop3A_588 = vector.shape_cast %parallel_loop3A_587 : vector<1x1x16xf32> to vector<16xf32>
        %parallel_loop3A_589 = arith.addf %parallel_loop3A_559, %parallel_loop3A_567 : vector<16xf32>
        %parallel_loop3A_590 = arith.addf %parallel_loop3A_575, %parallel_loop3A_583 : vector<16xf32>
        %parallel_loop3A_591 = arith.addf %parallel_loop3A_589, %parallel_loop3A_590 : vector<16xf32>
        %parallel_loop3A_592 = arith.addf %parallel_loop3A_588, %parallel_loop3A_591 : vector<16xf32>
        %parallel_loop3A_593 = arith.index_cast %rem3A_310 : i32 to index
        %parallel_loop3A_594 = arith.index_cast %parallel_loop3A_444 : i32 to index
        %parallel_loop3A_595 = arith.constant 32 : index
        %parallel_loop3A_596 = tpu.vector_load %arg11[%parallel_loop3A_593, %parallel_loop3A_594, %parallel_loop3A_595] {strides = array<i32>} : memref<2x64x128xf32, #tpu.memory_space<vmem>>, vector<1x1x16xf32>,
        %parallel_loop3A_597 = vector.shape_cast %parallel_loop3A_596 : vector<1x1x16xf32> to vector<16xf32>
        %parallel_loop3A_598 = vector.shape_cast %parallel_loop3A_592 : vector<16xf32> to vector<1x1x16xf32>
        tpu.vector_store %arg11[%parallel_loop3A_593, %parallel_loop3A_594, %parallel_loop3A_595], %parallel_loop3A_598 {strides = array<i32>} : memref<2x64x128xf32, #tpu.memory_space<vmem>>, vector<1x1x16xf32>,
        %parallel_loop3A_599 = arith.constant 0 : i32
        %parallel_loop3A_600 = arith.index_cast %rem3A_310 : i32 to index
        %parallel_loop3A_601 = arith.index_cast %parallel_loop3A_599 : i32 to index
        %parallel_loop3A_602 = arith.index_cast %parallel_loop3A_454 : i32 to index
        %parallel_loop3A_603 = arith.constant 48 : index
        %parallel_loop3A_604 = tpu.vector_load %arg10[%parallel_loop3A_600, %parallel_loop3A_601, %parallel_loop3A_602, %parallel_loop3A_603] {strides = array<i32>} : memref<2x4x72x128xf32, #tpu.memory_space<vmem>>, vector<1x1x1x16xf32>,
        %parallel_loop3A_605 = vector.shape_cast %parallel_loop3A_604 : vector<1x1x1x16xf32> to vector<16xf32>
        %parallel_loop3A_606 = arith.mulf %parallel_loop3A_450, %parallel_loop3A_605 : vector<16xf32>
        %parallel_loop3A_607 = arith.constant 1 : i32
        %parallel_loop3A_608 = arith.index_cast %rem3A_310 : i32 to index
        %parallel_loop3A_609 = arith.index_cast %parallel_loop3A_607 : i32 to index
        %parallel_loop3A_610 = arith.index_cast %parallel_loop3A_455 : i32 to index
        %parallel_loop3A_611 = arith.constant 48 : index
        %parallel_loop3A_612 = tpu.vector_load %arg10[%parallel_loop3A_608, %parallel_loop3A_609, %parallel_loop3A_610, %parallel_loop3A_611] {strides = array<i32>} : memref<2x4x72x128xf32, #tpu.memory_space<vmem>>, vector<1x1x1x16xf32>,
        %parallel_loop3A_613 = vector.shape_cast %parallel_loop3A_612 : vector<1x1x1x16xf32> to vector<16xf32>
        %parallel_loop3A_614 = arith.mulf %parallel_loop3A_451, %parallel_loop3A_613 : vector<16xf32>
        %parallel_loop3A_615 = arith.constant 2 : i32
        %parallel_loop3A_616 = arith.index_cast %rem3A_310 : i32 to index
        %parallel_loop3A_617 = arith.index_cast %parallel_loop3A_615 : i32 to index
        %parallel_loop3A_618 = arith.index_cast %parallel_loop3A_456 : i32 to index
        %parallel_loop3A_619 = arith.constant 48 : index
        %parallel_loop3A_620 = tpu.vector_load %arg10[%parallel_loop3A_616, %parallel_loop3A_617, %parallel_loop3A_618, %parallel_loop3A_619] {strides = array<i32>} : memref<2x4x72x128xf32, #tpu.memory_space<vmem>>, vector<1x1x1x16xf32>,
        %parallel_loop3A_621 = vector.shape_cast %parallel_loop3A_620 : vector<1x1x1x16xf32> to vector<16xf32>
        %parallel_loop3A_622 = arith.mulf %parallel_loop3A_452, %parallel_loop3A_621 : vector<16xf32>
        %parallel_loop3A_623 = arith.constant 3 : i32
        %parallel_loop3A_624 = arith.index_cast %rem3A_310 : i32 to index
        %parallel_loop3A_625 = arith.index_cast %parallel_loop3A_623 : i32 to index
        %parallel_loop3A_626 = arith.index_cast %parallel_loop3A_457 : i32 to index
        %parallel_loop3A_627 = arith.constant 48 : index
        %parallel_loop3A_628 = tpu.vector_load %arg10[%parallel_loop3A_624, %parallel_loop3A_625, %parallel_loop3A_626, %parallel_loop3A_627] {strides = array<i32>} : memref<2x4x72x128xf32, #tpu.memory_space<vmem>>, vector<1x1x1x16xf32>,
        %parallel_loop3A_629 = vector.shape_cast %parallel_loop3A_628 : vector<1x1x1x16xf32> to vector<16xf32>
        %parallel_loop3A_630 = arith.mulf %parallel_loop3A_453, %parallel_loop3A_629 : vector<16xf32>
        %parallel_loop3A_631 = arith.index_cast %rem3A_310 : i32 to index
        %parallel_loop3A_632 = arith.index_cast %parallel_loop3A_444 : i32 to index
        %parallel_loop3A_633 = arith.constant 48 : index
        %parallel_loop3A_634 = tpu.vector_load %arg9[%parallel_loop3A_631, %parallel_loop3A_632, %parallel_loop3A_633] {strides = array<i32>} : memref<2x64x128xf32, #tpu.memory_space<vmem>>, vector<1x1x16xf32>,
        %parallel_loop3A_635 = vector.shape_cast %parallel_loop3A_634 : vector<1x1x16xf32> to vector<16xf32>
        %parallel_loop3A_636 = arith.addf %parallel_loop3A_606, %parallel_loop3A_614 : vector<16xf32>
        %parallel_loop3A_637 = arith.addf %parallel_loop3A_622, %parallel_loop3A_630 : vector<16xf32>
        %parallel_loop3A_638 = arith.addf %parallel_loop3A_636, %parallel_loop3A_637 : vector<16xf32>
        %parallel_loop3A_639 = arith.addf %parallel_loop3A_635, %parallel_loop3A_638 : vector<16xf32>
        %parallel_loop3A_640 = arith.index_cast %rem3A_310 : i32 to index
        %parallel_loop3A_641 = arith.index_cast %parallel_loop3A_444 : i32 to index
        %parallel_loop3A_642 = arith.constant 48 : index
        %parallel_loop3A_643 = tpu.vector_load %arg11[%parallel_loop3A_640, %parallel_loop3A_641, %parallel_loop3A_642] {strides = array<i32>} : memref<2x64x128xf32, #tpu.memory_space<vmem>>, vector<1x1x16xf32>,
        %parallel_loop3A_644 = vector.shape_cast %parallel_loop3A_643 : vector<1x1x16xf32> to vector<16xf32>
        %parallel_loop3A_645 = vector.shape_cast %parallel_loop3A_639 : vector<16xf32> to vector<1x1x16xf32>
        tpu.vector_store %arg11[%parallel_loop3A_640, %parallel_loop3A_641, %parallel_loop3A_642], %parallel_loop3A_645 {strides = array<i32>} : memref<2x64x128xf32, #tpu.memory_space<vmem>>, vector<1x1x16xf32>,
        %parallel_loop3A_646 = arith.constant 0 : i32
        %parallel_loop3A_647 = arith.index_cast %rem3A_310 : i32 to index
        %parallel_loop3A_648 = arith.index_cast %parallel_loop3A_646 : i32 to index
        %parallel_loop3A_649 = arith.index_cast %parallel_loop3A_454 : i32 to index
        %parallel_loop3A_650 = arith.constant 64 : index
        %parallel_loop3A_651 = tpu.vector_load %arg10[%parallel_loop3A_647, %parallel_loop3A_648, %parallel_loop3A_649, %parallel_loop3A_650] {strides = array<i32>} : memref<2x4x72x128xf32, #tpu.memory_space<vmem>>, vector<1x1x1x16xf32>,
        %parallel_loop3A_652 = vector.shape_cast %parallel_loop3A_651 : vector<1x1x1x16xf32> to vector<16xf32>
        %parallel_loop3A_653 = arith.mulf %parallel_loop3A_450, %parallel_loop3A_652 : vector<16xf32>
        %parallel_loop3A_654 = arith.constant 1 : i32
        %parallel_loop3A_655 = arith.index_cast %rem3A_310 : i32 to index
        %parallel_loop3A_656 = arith.index_cast %parallel_loop3A_654 : i32 to index
        %parallel_loop3A_657 = arith.index_cast %parallel_loop3A_455 : i32 to index
        %parallel_loop3A_658 = arith.constant 64 : index
        %parallel_loop3A_659 = tpu.vector_load %arg10[%parallel_loop3A_655, %parallel_loop3A_656, %parallel_loop3A_657, %parallel_loop3A_658] {strides = array<i32>} : memref<2x4x72x128xf32, #tpu.memory_space<vmem>>, vector<1x1x1x16xf32>,
        %parallel_loop3A_660 = vector.shape_cast %parallel_loop3A_659 : vector<1x1x1x16xf32> to vector<16xf32>
        %parallel_loop3A_661 = arith.mulf %parallel_loop3A_451, %parallel_loop3A_660 : vector<16xf32>
        %parallel_loop3A_662 = arith.constant 2 : i32
        %parallel_loop3A_663 = arith.index_cast %rem3A_310 : i32 to index
        %parallel_loop3A_664 = arith.index_cast %parallel_loop3A_662 : i32 to index
        %parallel_loop3A_665 = arith.index_cast %parallel_loop3A_456 : i32 to index
        %parallel_loop3A_666 = arith.constant 64 : index
        %parallel_loop3A_667 = tpu.vector_load %arg10[%parallel_loop3A_663, %parallel_loop3A_664, %parallel_loop3A_665, %parallel_loop3A_666] {strides = array<i32>} : memref<2x4x72x128xf32, #tpu.memory_space<vmem>>, vector<1x1x1x16xf32>,
        %parallel_loop3A_668 = vector.shape_cast %parallel_loop3A_667 : vector<1x1x1x16xf32> to vector<16xf32>
        %parallel_loop3A_669 = arith.mulf %parallel_loop3A_452, %parallel_loop3A_668 : vector<16xf32>
        %parallel_loop3A_670 = arith.constant 3 : i32
        %parallel_loop3A_671 = arith.index_cast %rem3A_310 : i32 to index
        %parallel_loop3A_672 = arith.index_cast %parallel_loop3A_670 : i32 to index
        %parallel_loop3A_673 = arith.index_cast %parallel_loop3A_457 : i32 to index
        %parallel_loop3A_674 = arith.constant 64 : index
        %parallel_loop3A_675 = tpu.vector_load %arg10[%parallel_loop3A_671, %parallel_loop3A_672, %parallel_loop3A_673, %parallel_loop3A_674] {strides = array<i32>} : memref<2x4x72x128xf32, #tpu.memory_space<vmem>>, vector<1x1x1x16xf32>,
        %parallel_loop3A_676 = vector.shape_cast %parallel_loop3A_675 : vector<1x1x1x16xf32> to vector<16xf32>
        %parallel_loop3A_677 = arith.mulf %parallel_loop3A_453, %parallel_loop3A_676 : vector<16xf32>
        %parallel_loop3A_678 = arith.index_cast %rem3A_310 : i32 to index
        %parallel_loop3A_679 = arith.index_cast %parallel_loop3A_444 : i32 to index
        %parallel_loop3A_680 = arith.constant 64 : index
        %parallel_loop3A_681 = tpu.vector_load %arg9[%parallel_loop3A_678, %parallel_loop3A_679, %parallel_loop3A_680] {strides = array<i32>} : memref<2x64x128xf32, #tpu.memory_space<vmem>>, vector<1x1x16xf32>,
        %parallel_loop3A_682 = vector.shape_cast %parallel_loop3A_681 : vector<1x1x16xf32> to vector<16xf32>
        %parallel_loop3A_683 = arith.addf %parallel_loop3A_653, %parallel_loop3A_661 : vector<16xf32>
        %parallel_loop3A_684 = arith.addf %parallel_loop3A_669, %parallel_loop3A_677 : vector<16xf32>
        %parallel_loop3A_685 = arith.addf %parallel_loop3A_683, %parallel_loop3A_684 : vector<16xf32>
        %parallel_loop3A_686 = arith.addf %parallel_loop3A_682, %parallel_loop3A_685 : vector<16xf32>
        %parallel_loop3A_687 = arith.index_cast %rem3A_310 : i32 to index
        %parallel_loop3A_688 = arith.index_cast %parallel_loop3A_444 : i32 to index
        %parallel_loop3A_689 = arith.constant 64 : index
        %parallel_loop3A_690 = tpu.vector_load %arg11[%parallel_loop3A_687, %parallel_loop3A_688, %parallel_loop3A_689] {strides = array<i32>} : memref<2x64x128xf32, #tpu.memory_space<vmem>>, vector<1x1x16xf32>,
        %parallel_loop3A_691 = vector.shape_cast %parallel_loop3A_690 : vector<1x1x16xf32> to vector<16xf32>
        %parallel_loop3A_692 = vector.shape_cast %parallel_loop3A_686 : vector<16xf32> to vector<1x1x16xf32>
        tpu.vector_store %arg11[%parallel_loop3A_687, %parallel_loop3A_688, %parallel_loop3A_689], %parallel_loop3A_692 {strides = array<i32>} : memref<2x64x128xf32, #tpu.memory_space<vmem>>, vector<1x1x16xf32>,
        %parallel_loop3A_693 = arith.constant 0 : i32
        %parallel_loop3A_694 = arith.index_cast %rem3A_310 : i32 to index
        %parallel_loop3A_695 = arith.index_cast %parallel_loop3A_693 : i32 to index
        %parallel_loop3A_696 = arith.index_cast %parallel_loop3A_454 : i32 to index
        %parallel_loop3A_697 = arith.constant 80 : index
        %parallel_loop3A_698 = tpu.vector_load %arg10[%parallel_loop3A_694, %parallel_loop3A_695, %parallel_loop3A_696, %parallel_loop3A_697] {strides = array<i32>} : memref<2x4x72x128xf32, #tpu.memory_space<vmem>>, vector<1x1x1x16xf32>,
        %parallel_loop3A_699 = vector.shape_cast %parallel_loop3A_698 : vector<1x1x1x16xf32> to vector<16xf32>
        %parallel_loop3A_700 = arith.mulf %parallel_loop3A_450, %parallel_loop3A_699 : vector<16xf32>
        %parallel_loop3A_701 = arith.constant 1 : i32
        %parallel_loop3A_702 = arith.index_cast %rem3A_310 : i32 to index
        %parallel_loop3A_703 = arith.index_cast %parallel_loop3A_701 : i32 to index
        %parallel_loop3A_704 = arith.index_cast %parallel_loop3A_455 : i32 to index
        %parallel_loop3A_705 = arith.constant 80 : index
        %parallel_loop3A_706 = tpu.vector_load %arg10[%parallel_loop3A_702, %parallel_loop3A_703, %parallel_loop3A_704, %parallel_loop3A_705] {strides = array<i32>} : memref<2x4x72x128xf32, #tpu.memory_space<vmem>>, vector<1x1x1x16xf32>,
        %parallel_loop3A_707 = vector.shape_cast %parallel_loop3A_706 : vector<1x1x1x16xf32> to vector<16xf32>
        %parallel_loop3A_708 = arith.mulf %parallel_loop3A_451, %parallel_loop3A_707 : vector<16xf32>
        %parallel_loop3A_709 = arith.constant 2 : i32
        %parallel_loop3A_710 = arith.index_cast %rem3A_310 : i32 to index
        %parallel_loop3A_711 = arith.index_cast %parallel_loop3A_709 : i32 to index
        %parallel_loop3A_712 = arith.index_cast %parallel_loop3A_456 : i32 to index
        %parallel_loop3A_713 = arith.constant 80 : index
        %parallel_loop3A_714 = tpu.vector_load %arg10[%parallel_loop3A_710, %parallel_loop3A_711, %parallel_loop3A_712, %parallel_loop3A_713] {strides = array<i32>} : memref<2x4x72x128xf32, #tpu.memory_space<vmem>>, vector<1x1x1x16xf32>,
        %parallel_loop3A_715 = vector.shape_cast %parallel_loop3A_714 : vector<1x1x1x16xf32> to vector<16xf32>
        %parallel_loop3A_716 = arith.mulf %parallel_loop3A_452, %parallel_loop3A_715 : vector<16xf32>
        %parallel_loop3A_717 = arith.constant 3 : i32
        %parallel_loop3A_718 = arith.index_cast %rem3A_310 : i32 to index
        %parallel_loop3A_719 = arith.index_cast %parallel_loop3A_717 : i32 to index
        %parallel_loop3A_720 = arith.index_cast %parallel_loop3A_457 : i32 to index
        %parallel_loop3A_721 = arith.constant 80 : index
        %parallel_loop3A_722 = tpu.vector_load %arg10[%parallel_loop3A_718, %parallel_loop3A_719, %parallel_loop3A_720, %parallel_loop3A_721] {strides = array<i32>} : memref<2x4x72x128xf32, #tpu.memory_space<vmem>>, vector<1x1x1x16xf32>,
        %parallel_loop3A_723 = vector.shape_cast %parallel_loop3A_722 : vector<1x1x1x16xf32> to vector<16xf32>
        %parallel_loop3A_724 = arith.mulf %parallel_loop3A_453, %parallel_loop3A_723 : vector<16xf32>
        %parallel_loop3A_725 = arith.index_cast %rem3A_310 : i32 to index
        %parallel_loop3A_726 = arith.index_cast %parallel_loop3A_444 : i32 to index
        %parallel_loop3A_727 = arith.constant 80 : index
        %parallel_loop3A_728 = tpu.vector_load %arg9[%parallel_loop3A_725, %parallel_loop3A_726, %parallel_loop3A_727] {strides = array<i32>} : memref<2x64x128xf32, #tpu.memory_space<vmem>>, vector<1x1x16xf32>,
        %parallel_loop3A_729 = vector.shape_cast %parallel_loop3A_728 : vector<1x1x16xf32> to vector<16xf32>
        %parallel_loop3A_730 = arith.addf %parallel_loop3A_700, %parallel_loop3A_708 : vector<16xf32>
        %parallel_loop3A_731 = arith.addf %parallel_loop3A_716, %parallel_loop3A_724 : vector<16xf32>
        %parallel_loop3A_732 = arith.addf %parallel_loop3A_730, %parallel_loop3A_731 : vector<16xf32>
        %parallel_loop3A_733 = arith.addf %parallel_loop3A_729, %parallel_loop3A_732 : vector<16xf32>
        %parallel_loop3A_734 = arith.index_cast %rem3A_310 : i32 to index
        %parallel_loop3A_735 = arith.index_cast %parallel_loop3A_444 : i32 to index
        %parallel_loop3A_736 = arith.constant 80 : index
        %parallel_loop3A_737 = tpu.vector_load %arg11[%parallel_loop3A_734, %parallel_loop3A_735, %parallel_loop3A_736] {strides = array<i32>} : memref<2x64x128xf32, #tpu.memory_space<vmem>>, vector<1x1x16xf32>,
        %parallel_loop3A_738 = vector.shape_cast %parallel_loop3A_737 : vector<1x1x16xf32> to vector<16xf32>
        %parallel_loop3A_739 = vector.shape_cast %parallel_loop3A_733 : vector<16xf32> to vector<1x1x16xf32>
        tpu.vector_store %arg11[%parallel_loop3A_734, %parallel_loop3A_735, %parallel_loop3A_736], %parallel_loop3A_739 {strides = array<i32>} : memref<2x64x128xf32, #tpu.memory_space<vmem>>, vector<1x1x16xf32>,
        %parallel_loop3A_740 = arith.constant 0 : i32
        %parallel_loop3A_741 = arith.index_cast %rem3A_310 : i32 to index
        %parallel_loop3A_742 = arith.index_cast %parallel_loop3A_740 : i32 to index
        %parallel_loop3A_743 = arith.index_cast %parallel_loop3A_454 : i32 to index
        %parallel_loop3A_744 = arith.constant 96 : index
        %parallel_loop3A_745 = tpu.vector_load %arg10[%parallel_loop3A_741, %parallel_loop3A_742, %parallel_loop3A_743, %parallel_loop3A_744] {strides = array<i32>} : memref<2x4x72x128xf32, #tpu.memory_space<vmem>>, vector<1x1x1x16xf32>,
        %parallel_loop3A_746 = vector.shape_cast %parallel_loop3A_745 : vector<1x1x1x16xf32> to vector<16xf32>
        %parallel_loop3A_747 = arith.mulf %parallel_loop3A_450, %parallel_loop3A_746 : vector<16xf32>
        %parallel_loop3A_748 = arith.constant 1 : i32
        %parallel_loop3A_749 = arith.index_cast %rem3A_310 : i32 to index
        %parallel_loop3A_750 = arith.index_cast %parallel_loop3A_748 : i32 to index
        %parallel_loop3A_751 = arith.index_cast %parallel_loop3A_455 : i32 to index
        %parallel_loop3A_752 = arith.constant 96 : index
        %parallel_loop3A_753 = tpu.vector_load %arg10[%parallel_loop3A_749, %parallel_loop3A_750, %parallel_loop3A_751, %parallel_loop3A_752] {strides = array<i32>} : memref<2x4x72x128xf32, #tpu.memory_space<vmem>>, vector<1x1x1x16xf32>,
        %parallel_loop3A_754 = vector.shape_cast %parallel_loop3A_753 : vector<1x1x1x16xf32> to vector<16xf32>
        %parallel_loop3A_755 = arith.mulf %parallel_loop3A_451, %parallel_loop3A_754 : vector<16xf32>
        %parallel_loop3A_756 = arith.constant 2 : i32
        %parallel_loop3A_757 = arith.index_cast %rem3A_310 : i32 to index
        %parallel_loop3A_758 = arith.index_cast %parallel_loop3A_756 : i32 to index
        %parallel_loop3A_759 = arith.index_cast %parallel_loop3A_456 : i32 to index
        %parallel_loop3A_760 = arith.constant 96 : index
        %parallel_loop3A_761 = tpu.vector_load %arg10[%parallel_loop3A_757, %parallel_loop3A_758, %parallel_loop3A_759, %parallel_loop3A_760] {strides = array<i32>} : memref<2x4x72x128xf32, #tpu.memory_space<vmem>>, vector<1x1x1x16xf32>,
        %parallel_loop3A_762 = vector.shape_cast %parallel_loop3A_761 : vector<1x1x1x16xf32> to vector<16xf32>
        %parallel_loop3A_763 = arith.mulf %parallel_loop3A_452, %parallel_loop3A_762 : vector<16xf32>
        %parallel_loop3A_764 = arith.constant 3 : i32
        %parallel_loop3A_765 = arith.index_cast %rem3A_310 : i32 to index
        %parallel_loop3A_766 = arith.index_cast %parallel_loop3A_764 : i32 to index
        %parallel_loop3A_767 = arith.index_cast %parallel_loop3A_457 : i32 to index
        %parallel_loop3A_768 = arith.constant 96 : index
        %parallel_loop3A_769 = tpu.vector_load %arg10[%parallel_loop3A_765, %parallel_loop3A_766, %parallel_loop3A_767, %parallel_loop3A_768] {strides = array<i32>} : memref<2x4x72x128xf32, #tpu.memory_space<vmem>>, vector<1x1x1x16xf32>,
        %parallel_loop3A_770 = vector.shape_cast %parallel_loop3A_769 : vector<1x1x1x16xf32> to vector<16xf32>
        %parallel_loop3A_771 = arith.mulf %parallel_loop3A_453, %parallel_loop3A_770 : vector<16xf32>
        %parallel_loop3A_772 = arith.index_cast %rem3A_310 : i32 to index
        %parallel_loop3A_773 = arith.index_cast %parallel_loop3A_444 : i32 to index
        %parallel_loop3A_774 = arith.constant 96 : index
        %parallel_loop3A_775 = tpu.vector_load %arg9[%parallel_loop3A_772, %parallel_loop3A_773, %parallel_loop3A_774] {strides = array<i32>} : memref<2x64x128xf32, #tpu.memory_space<vmem>>, vector<1x1x16xf32>,
        %parallel_loop3A_776 = vector.shape_cast %parallel_loop3A_775 : vector<1x1x16xf32> to vector<16xf32>
        %parallel_loop3A_777 = arith.addf %parallel_loop3A_747, %parallel_loop3A_755 : vector<16xf32>
        %parallel_loop3A_778 = arith.addf %parallel_loop3A_763, %parallel_loop3A_771 : vector<16xf32>
        %parallel_loop3A_779 = arith.addf %parallel_loop3A_777, %parallel_loop3A_778 : vector<16xf32>
        %parallel_loop3A_780 = arith.addf %parallel_loop3A_776, %parallel_loop3A_779 : vector<16xf32>
        %parallel_loop3A_781 = arith.index_cast %rem3A_310 : i32 to index
        %parallel_loop3A_782 = arith.index_cast %parallel_loop3A_444 : i32 to index
        %parallel_loop3A_783 = arith.constant 96 : index
        %parallel_loop3A_784 = tpu.vector_load %arg11[%parallel_loop3A_781, %parallel_loop3A_782, %parallel_loop3A_783] {strides = array<i32>} : memref<2x64x128xf32, #tpu.memory_space<vmem>>, vector<1x1x16xf32>,
        %parallel_loop3A_785 = vector.shape_cast %parallel_loop3A_784 : vector<1x1x16xf32> to vector<16xf32>
        %parallel_loop3A_786 = vector.shape_cast %parallel_loop3A_780 : vector<16xf32> to vector<1x1x16xf32>
        tpu.vector_store %arg11[%parallel_loop3A_781, %parallel_loop3A_782, %parallel_loop3A_783], %parallel_loop3A_786 {strides = array<i32>} : memref<2x64x128xf32, #tpu.memory_space<vmem>>, vector<1x1x16xf32>,
        %parallel_loop3A_787 = arith.constant 0 : i32
        %parallel_loop3A_788 = arith.index_cast %rem3A_310 : i32 to index
        %parallel_loop3A_789 = arith.index_cast %parallel_loop3A_787 : i32 to index
        %parallel_loop3A_790 = arith.index_cast %parallel_loop3A_454 : i32 to index
        %parallel_loop3A_791 = arith.constant 112 : index
        %parallel_loop3A_792 = tpu.vector_load %arg10[%parallel_loop3A_788, %parallel_loop3A_789, %parallel_loop3A_790, %parallel_loop3A_791] {strides = array<i32>} : memref<2x4x72x128xf32, #tpu.memory_space<vmem>>, vector<1x1x1x16xf32>,
        %parallel_loop3A_793 = vector.shape_cast %parallel_loop3A_792 : vector<1x1x1x16xf32> to vector<16xf32>
        %parallel_loop3A_794 = arith.mulf %parallel_loop3A_450, %parallel_loop3A_793 : vector<16xf32>
        %parallel_loop3A_795 = arith.constant 1 : i32
        %parallel_loop3A_796 = arith.index_cast %rem3A_310 : i32 to index
        %parallel_loop3A_797 = arith.index_cast %parallel_loop3A_795 : i32 to index
        %parallel_loop3A_798 = arith.index_cast %parallel_loop3A_455 : i32 to index
        %parallel_loop3A_799 = arith.constant 112 : index
        %parallel_loop3A_800 = tpu.vector_load %arg10[%parallel_loop3A_796, %parallel_loop3A_797, %parallel_loop3A_798, %parallel_loop3A_799] {strides = array<i32>} : memref<2x4x72x128xf32, #tpu.memory_space<vmem>>, vector<1x1x1x16xf32>,
        %parallel_loop3A_801 = vector.shape_cast %parallel_loop3A_800 : vector<1x1x1x16xf32> to vector<16xf32>
        %parallel_loop3A_802 = arith.mulf %parallel_loop3A_451, %parallel_loop3A_801 : vector<16xf32>
        %parallel_loop3A_803 = arith.constant 2 : i32
        %parallel_loop3A_804 = arith.index_cast %rem3A_310 : i32 to index
        %parallel_loop3A_805 = arith.index_cast %parallel_loop3A_803 : i32 to index
        %parallel_loop3A_806 = arith.index_cast %parallel_loop3A_456 : i32 to index
        %parallel_loop3A_807 = arith.constant 112 : index
        %parallel_loop3A_808 = tpu.vector_load %arg10[%parallel_loop3A_804, %parallel_loop3A_805, %parallel_loop3A_806, %parallel_loop3A_807] {strides = array<i32>} : memref<2x4x72x128xf32, #tpu.memory_space<vmem>>, vector<1x1x1x16xf32>,
        %parallel_loop3A_809 = vector.shape_cast %parallel_loop3A_808 : vector<1x1x1x16xf32> to vector<16xf32>
        %parallel_loop3A_810 = arith.mulf %parallel_loop3A_452, %parallel_loop3A_809 : vector<16xf32>
        %parallel_loop3A_811 = arith.constant 3 : i32
        %parallel_loop3A_812 = arith.index_cast %rem3A_310 : i32 to index
        %parallel_loop3A_813 = arith.index_cast %parallel_loop3A_811 : i32 to index
        %parallel_loop3A_814 = arith.index_cast %parallel_loop3A_457 : i32 to index
        %parallel_loop3A_815 = arith.constant 112 : index
        %parallel_loop3A_816 = tpu.vector_load %arg10[%parallel_loop3A_812, %parallel_loop3A_813, %parallel_loop3A_814, %parallel_loop3A_815] {strides = array<i32>} : memref<2x4x72x128xf32, #tpu.memory_space<vmem>>, vector<1x1x1x16xf32>,
        %parallel_loop3A_817 = vector.shape_cast %parallel_loop3A_816 : vector<1x1x1x16xf32> to vector<16xf32>
        %parallel_loop3A_818 = arith.mulf %parallel_loop3A_453, %parallel_loop3A_817 : vector<16xf32>
        %parallel_loop3A_819 = arith.index_cast %rem3A_310 : i32 to index
        %parallel_loop3A_820 = arith.index_cast %parallel_loop3A_444 : i32 to index
        %parallel_loop3A_821 = arith.constant 112 : index
        %parallel_loop3A_822 = tpu.vector_load %arg9[%parallel_loop3A_819, %parallel_loop3A_820, %parallel_loop3A_821] {strides = array<i32>} : memref<2x64x128xf32, #tpu.memory_space<vmem>>, vector<1x1x16xf32>,
        %parallel_loop3A_823 = vector.shape_cast %parallel_loop3A_822 : vector<1x1x16xf32> to vector<16xf32>
        %parallel_loop3A_824 = arith.addf %parallel_loop3A_794, %parallel_loop3A_802 : vector<16xf32>
        %parallel_loop3A_825 = arith.addf %parallel_loop3A_810, %parallel_loop3A_818 : vector<16xf32>
        %parallel_loop3A_826 = arith.addf %parallel_loop3A_824, %parallel_loop3A_825 : vector<16xf32>
        %parallel_loop3A_827 = arith.addf %parallel_loop3A_823, %parallel_loop3A_826 : vector<16xf32>
        %parallel_loop3A_828 = arith.index_cast %rem3A_310 : i32 to index
        %parallel_loop3A_829 = arith.index_cast %parallel_loop3A_444 : i32 to index
        %parallel_loop3A_830 = arith.constant 112 : index
        %parallel_loop3A_831 = tpu.vector_load %arg11[%parallel_loop3A_828, %parallel_loop3A_829, %parallel_loop3A_830] {strides = array<i32>} : memref<2x64x128xf32, #tpu.memory_space<vmem>>, vector<1x1x16xf32>,
        %parallel_loop3A_832 = vector.shape_cast %parallel_loop3A_831 : vector<1x1x16xf32> to vector<16xf32>
        %parallel_loop3A_833 = vector.shape_cast %parallel_loop3A_827 : vector<16xf32> to vector<1x1x16xf32>
        tpu.vector_store %arg11[%parallel_loop3A_828, %parallel_loop3A_829, %parallel_loop3A_830], %parallel_loop3A_833 {strides = array<i32>} : memref<2x64x128xf32, #tpu.memory_space<vmem>>, vector<1x1x16xf32>,
      } {sc.loop_unroll_factor = 8 : i64, sc.parallel_access}
      %mul3A_419 = arith.constant 64 : i32
      %mul3A_420 = arith.muli %scan3A_309, %mul3A_419 : i32
      %add3A_421 = arith.addi %mul3A_0, %mul3A_420 : i32
      %dma_start3A_422 = arith.constant 0 : i32
      %dma_start3A_423 = arith.constant 0 : i32
      %dma_start3A_424 = tpu.memref_slice %arg11[%rem3A_310, %dma_start3A_422, %dma_start3A_423] : memref<2x64x128xf32, #tpu.memory_space<vmem>> -> memref<1x64x128xf32, #tpu.memory_space<vmem>>
      %dma_start3A_425 = tpu.memref_squeeze %dma_start3A_424 : memref<1x64x128xf32, #tpu.memory_space<vmem>> -> memref<64x128xf32, #tpu.memory_space<vmem>>
      %dma_start3A_426 = arith.constant 0 : i32
      %dma_start3A_427 = tpu.memref_slice %arg6[%arg1, %add3A_421, %dma_start3A_426] : memref<16x2048x128xf32, #tpu.memory_space<hbm>> -> memref<1x64x128xf32, #tpu.memory_space<hbm>>
      %dma_start3A_428 = tpu.memref_squeeze %dma_start3A_427 : memref<1x64x128xf32, #tpu.memory_space<hbm>> -> memref<64x128xf32, #tpu.memory_space<hbm>>
      %dma_start3A_429 = tpu.memref_slice %arg13[%rem3A_310] : memref<2x!tpu.dma_semaphore, #tpu.memory_space<semaphore_mem>> -> memref<1x!tpu.dma_semaphore, #tpu.memory_space<semaphore_mem>>
      %dma_start3A_430 = tpu.memref_squeeze %dma_start3A_429 : memref<1x!tpu.dma_semaphore, #tpu.memory_space<semaphore_mem>> -> memref<!tpu.dma_semaphore, #tpu.memory_space<semaphore_mem>>
      %dma_start3A_431 = arith.constant 0 : i32
      %dma_start3A_432 = tpu.memref_slice %arg6[%arg1, %add3A_421, %dma_start3A_431] : memref<16x2048x128xf32, #tpu.memory_space<hbm>> -> memref<1x64x128xf32, #tpu.memory_space<hbm>>
      %dma_start3A_433 = tpu.memref_squeeze %dma_start3A_432 : memref<1x64x128xf32, #tpu.memory_space<hbm>> -> memref<64x128xf32, #tpu.memory_space<hbm>>
      %dma_start3A_434 = arith.constant 0 : i32
      %dma_start3A_435 = arith.constant 0 : i32
      %dma_start3A_436 = tpu.memref_slice %arg11[%rem3A_310, %dma_start3A_434, %dma_start3A_435] : memref<2x64x128xf32, #tpu.memory_space<vmem>> -> memref<1x64x128xf32, #tpu.memory_space<vmem>>
      %dma_start3A_437 = tpu.memref_squeeze %dma_start3A_436 : memref<1x64x128xf32, #tpu.memory_space<vmem>> -> memref<64x128xf32, #tpu.memory_space<vmem>>
      tpu.enqueue_dma source(%dma_start3A_437 : memref<64x128xf32, #tpu.memory_space<vmem>>) target(%dma_start3A_433 : memref<64x128xf32, #tpu.memory_space<hbm>>) target_semaphore(%dma_start3A_430 : memref<!tpu.dma_semaphore, #tpu.memory_space<semaphore_mem>>)
      %add3A_438 = arith.constant 2 : i32
      %add3A_439 = arith.addi %scan3A_309, %add3A_438 : i32
      %lt3A = arith.constant 16 : i32
      %lt3A_440 = arith.cmpi slt, %add3A_439, %lt3A : i32
      %convert_element_type3A_441 = arith.extui %lt3A_440 : i1 to i32
      %cond3A_442 = arith.constant 0 : i32
      %cond3A_443 = arith.cmpi ne, %convert_element_type3A_441, %cond3A_442 : i32
      scf.if %cond3A_443 {
        %add3A_444 = arith.constant 2 : i32
        %add3A_445 = arith.addi %scan3A_309, %add3A_444 : i32
        %mul3A_446 = arith.constant 64 : i32
        %mul3A_447 = arith.muli %add3A_445, %mul3A_446 : i32
        %add3A_448 = arith.addi %mul3A_0, %mul3A_447 : i32
        %add3A_449 = arith.addi %sub3A, %add3A_448 : i32
        %multiple_of3A_450 = tpu.assume_multiple %add3A_449, 8 : i32
        %add3A_451 = arith.addi %sub3A_26, %add3A_448 : i32
        %multiple_of3A_452 = tpu.assume_multiple %add3A_451, 8 : i32
        %add3A_453 = arith.addi %sub3A_27, %add3A_448 : i32
        %multiple_of3A_454 = tpu.assume_multiple %add3A_453, 8 : i32
        %add3A_455 = arith.addi %sub3A_28, %add3A_448 : i32
        %multiple_of3A_456 = tpu.assume_multiple %add3A_455, 8 : i32
        %dma_start3A_457 = arith.constant 0 : i32
        %dma_start3A_458 = arith.constant 0 : i32
        %dma_start3A_459 = tpu.memref_slice %arg9[%rem3A_310, %dma_start3A_457, %dma_start3A_458] : memref<2x64x128xf32, #tpu.memory_space<vmem>> -> memref<1x64x128xf32, #tpu.memory_space<vmem>>
        %dma_start3A_460 = tpu.memref_squeeze %dma_start3A_459 : memref<1x64x128xf32, #tpu.memory_space<vmem>> -> memref<64x128xf32, #tpu.memory_space<vmem>>
        %dma_start3A_461 = arith.constant 0 : i32
        %dma_start3A_462 = tpu.memref_slice %arg2[%arg1, %add3A_448, %dma_start3A_461] : memref<16x2048x128xf32, #tpu.memory_space<hbm>> -> memref<1x64x128xf32, #tpu.memory_space<hbm>>
        %dma_start3A_463 = tpu.memref_squeeze %dma_start3A_462 : memref<1x64x128xf32, #tpu.memory_space<hbm>> -> memref<64x128xf32, #tpu.memory_space<hbm>>
        %dma_start3A_464 = tpu.memref_slice %arg12[%rem3A_310] : memref<2x!tpu.dma_semaphore, #tpu.memory_space<semaphore_mem>> -> memref<1x!tpu.dma_semaphore, #tpu.memory_space<semaphore_mem>>
        %dma_start3A_465 = tpu.memref_squeeze %dma_start3A_464 : memref<1x!tpu.dma_semaphore, #tpu.memory_space<semaphore_mem>> -> memref<!tpu.dma_semaphore, #tpu.memory_space<semaphore_mem>>
        %dma_start3A_466 = arith.constant 0 : i32
        %dma_start3A_467 = arith.constant 0 : i32
        %dma_start3A_468 = tpu.memref_slice %arg9[%rem3A_310, %dma_start3A_466, %dma_start3A_467] : memref<2x64x128xf32, #tpu.memory_space<vmem>> -> memref<1x64x128xf32, #tpu.memory_space<vmem>>
        %dma_start3A_469 = tpu.memref_squeeze %dma_start3A_468 : memref<1x64x128xf32, #tpu.memory_space<vmem>> -> memref<64x128xf32, #tpu.memory_space<vmem>>
        %dma_start3A_470 = arith.constant 0 : i32
        %dma_start3A_471 = tpu.memref_slice %arg2[%arg1, %add3A_448, %dma_start3A_470] : memref<16x2048x128xf32, #tpu.memory_space<hbm>> -> memref<1x64x128xf32, #tpu.memory_space<hbm>>
        %dma_start3A_472 = tpu.memref_squeeze %dma_start3A_471 : memref<1x64x128xf32, #tpu.memory_space<hbm>> -> memref<64x128xf32, #tpu.memory_space<hbm>>
        tpu.enqueue_dma source(%dma_start3A_472 : memref<64x128xf32, #tpu.memory_space<hbm>>) target(%dma_start3A_469 : memref<64x128xf32, #tpu.memory_space<vmem>>) target_semaphore(%dma_start3A_465 : memref<!tpu.dma_semaphore, #tpu.memory_space<semaphore_mem>>)
        %dma_start3A_473 = arith.constant 0 : i32
        %dma_start3A_474 = arith.constant 0 : i32
        %dma_start3A_475 = tpu.memref_slice %arg8[%rem3A_310, %dma_start3A_473, %dma_start3A_474] : memref<2x64x16xf32, #tpu.memory_space<vmem>> -> memref<1x64x16xf32, #tpu.memory_space<vmem>>
        %dma_start3A_476 = tpu.memref_squeeze %dma_start3A_475 : memref<1x64x16xf32, #tpu.memory_space<vmem>> -> memref<64x16xf32, #tpu.memory_space<vmem>>
        %dma_start3A_477 = arith.constant 0 : i32
        %dma_start3A_478 = tpu.memref_slice %arg3[%arg1, %add3A_448, %dma_start3A_477] : memref<16x2048x16xf32, #tpu.memory_space<hbm>> -> memref<1x64x16xf32, #tpu.memory_space<hbm>>
        %dma_start3A_479 = tpu.memref_squeeze %dma_start3A_478 : memref<1x64x16xf32, #tpu.memory_space<hbm>> -> memref<64x16xf32, #tpu.memory_space<hbm>>
        %dma_start3A_480 = tpu.memref_slice %arg12[%rem3A_310] : memref<2x!tpu.dma_semaphore, #tpu.memory_space<semaphore_mem>> -> memref<1x!tpu.dma_semaphore, #tpu.memory_space<semaphore_mem>>
        %dma_start3A_481 = tpu.memref_squeeze %dma_start3A_480 : memref<1x!tpu.dma_semaphore, #tpu.memory_space<semaphore_mem>> -> memref<!tpu.dma_semaphore, #tpu.memory_space<semaphore_mem>>
        %dma_start3A_482 = arith.constant 0 : i32
        %dma_start3A_483 = arith.constant 0 : i32
        %dma_start3A_484 = tpu.memref_slice %arg8[%rem3A_310, %dma_start3A_482, %dma_start3A_483] : memref<2x64x16xf32, #tpu.memory_space<vmem>> -> memref<1x64x16xf32, #tpu.memory_space<vmem>>
        %dma_start3A_485 = tpu.memref_squeeze %dma_start3A_484 : memref<1x64x16xf32, #tpu.memory_space<vmem>> -> memref<64x16xf32, #tpu.memory_space<vmem>>
        %dma_start3A_486 = arith.constant 0 : i32
        %dma_start3A_487 = tpu.memref_slice %arg3[%arg1, %add3A_448, %dma_start3A_486] : memref<16x2048x16xf32, #tpu.memory_space<hbm>> -> memref<1x64x16xf32, #tpu.memory_space<hbm>>
        %dma_start3A_488 = tpu.memref_squeeze %dma_start3A_487 : memref<1x64x16xf32, #tpu.memory_space<hbm>> -> memref<64x16xf32, #tpu.memory_space<hbm>>
        tpu.enqueue_dma source(%dma_start3A_488 : memref<64x16xf32, #tpu.memory_space<hbm>>) target(%dma_start3A_485 : memref<64x16xf32, #tpu.memory_space<vmem>>) target_semaphore(%dma_start3A_481 : memref<!tpu.dma_semaphore, #tpu.memory_space<semaphore_mem>>)
        %dma_start3A_489 = arith.constant 0 : i32
        %dma_start3A_490 = arith.constant 0 : i32
        %dma_start3A_491 = arith.constant 0 : i32
        %dma_start3A_492 = tpu.memref_slice %arg10[%rem3A_310, %dma_start3A_489, %dma_start3A_490, %dma_start3A_491] : memref<2x4x72x128xf32, #tpu.memory_space<vmem>> -> memref<1x1x72x128xf32, #tpu.memory_space<vmem>>
        %dma_start3A_493 = tpu.memref_squeeze %dma_start3A_492 : memref<1x1x72x128xf32, #tpu.memory_space<vmem>> -> memref<72x128xf32, #tpu.memory_space<vmem>>
        %dma_start3A_494 = arith.constant 0 : i32
        %dma_start3A_495 = tpu.memref_slice %arg4[%multiple_of3A_450, %dma_start3A_494] : memref<200000x128xf32, #tpu.memory_space<hbm>> -> memref<72x128xf32, #tpu.memory_space<hbm>>
        %dma_start3A_496 = tpu.memref_slice %arg12[%rem3A_310] : memref<2x!tpu.dma_semaphore, #tpu.memory_space<semaphore_mem>> -> memref<1x!tpu.dma_semaphore, #tpu.memory_space<semaphore_mem>>
        %dma_start3A_497 = tpu.memref_squeeze %dma_start3A_496 : memref<1x!tpu.dma_semaphore, #tpu.memory_space<semaphore_mem>> -> memref<!tpu.dma_semaphore, #tpu.memory_space<semaphore_mem>>
        %dma_start3A_498 = arith.constant 0 : i32
        %dma_start3A_499 = arith.constant 0 : i32
        %dma_start3A_500 = tpu.memref_slice %arg10[%rem3A_310, %dma_start3A_489, %dma_start3A_498, %dma_start3A_499] : memref<2x4x72x128xf32, #tpu.memory_space<vmem>> -> memref<1x1x72x128xf32, #tpu.memory_space<vmem>>
        %dma_start3A_501 = tpu.memref_squeeze %dma_start3A_500 : memref<1x1x72x128xf32, #tpu.memory_space<vmem>> -> memref<72x128xf32, #tpu.memory_space<vmem>>
        %dma_start3A_502 = arith.constant 0 : i32
        %dma_start3A_503 = tpu.memref_slice %arg4[%multiple_of3A_450, %dma_start3A_502] : memref<200000x128xf32, #tpu.memory_space<hbm>> -> memref<72x128xf32, #tpu.memory_space<hbm>>
        tpu.enqueue_dma source(%dma_start3A_503 : memref<72x128xf32, #tpu.memory_space<hbm>>) target(%dma_start3A_501 : memref<72x128xf32, #tpu.memory_space<vmem>>) target_semaphore(%dma_start3A_497 : memref<!tpu.dma_semaphore, #tpu.memory_space<semaphore_mem>>)
        %dma_start3A_504 = arith.constant 1 : i32
        %dma_start3A_505 = arith.constant 0 : i32
        %dma_start3A_506 = arith.constant 0 : i32
        %dma_start3A_507 = tpu.memref_slice %arg10[%rem3A_310, %dma_start3A_504, %dma_start3A_505, %dma_start3A_506] : memref<2x4x72x128xf32, #tpu.memory_space<vmem>> -> memref<1x1x72x128xf32, #tpu.memory_space<vmem>>
        %dma_start3A_508 = tpu.memref_squeeze %dma_start3A_507 : memref<1x1x72x128xf32, #tpu.memory_space<vmem>> -> memref<72x128xf32, #tpu.memory_space<vmem>>
        %dma_start3A_509 = arith.constant 0 : i32
        %dma_start3A_510 = tpu.memref_slice %arg4[%multiple_of3A_452, %dma_start3A_509] : memref<200000x128xf32, #tpu.memory_space<hbm>> -> memref<72x128xf32, #tpu.memory_space<hbm>>
        %dma_start3A_511 = tpu.memref_slice %arg12[%rem3A_310] : memref<2x!tpu.dma_semaphore, #tpu.memory_space<semaphore_mem>> -> memref<1x!tpu.dma_semaphore, #tpu.memory_space<semaphore_mem>>
        %dma_start3A_512 = tpu.memref_squeeze %dma_start3A_511 : memref<1x!tpu.dma_semaphore, #tpu.memory_space<semaphore_mem>> -> memref<!tpu.dma_semaphore, #tpu.memory_space<semaphore_mem>>
        %dma_start3A_513 = arith.constant 0 : i32
        %dma_start3A_514 = arith.constant 0 : i32
        %dma_start3A_515 = tpu.memref_slice %arg10[%rem3A_310, %dma_start3A_504, %dma_start3A_513, %dma_start3A_514] : memref<2x4x72x128xf32, #tpu.memory_space<vmem>> -> memref<1x1x72x128xf32, #tpu.memory_space<vmem>>
        %dma_start3A_516 = tpu.memref_squeeze %dma_start3A_515 : memref<1x1x72x128xf32, #tpu.memory_space<vmem>> -> memref<72x128xf32, #tpu.memory_space<vmem>>
        %dma_start3A_517 = arith.constant 0 : i32
        %dma_start3A_518 = tpu.memref_slice %arg4[%multiple_of3A_452, %dma_start3A_517] : memref<200000x128xf32, #tpu.memory_space<hbm>> -> memref<72x128xf32, #tpu.memory_space<hbm>>
        tpu.enqueue_dma source(%dma_start3A_518 : memref<72x128xf32, #tpu.memory_space<hbm>>) target(%dma_start3A_516 : memref<72x128xf32, #tpu.memory_space<vmem>>) target_semaphore(%dma_start3A_512 : memref<!tpu.dma_semaphore, #tpu.memory_space<semaphore_mem>>)
        %dma_start3A_519 = arith.constant 2 : i32
        %dma_start3A_520 = arith.constant 0 : i32
        %dma_start3A_521 = arith.constant 0 : i32
        %dma_start3A_522 = tpu.memref_slice %arg10[%rem3A_310, %dma_start3A_519, %dma_start3A_520, %dma_start3A_521] : memref<2x4x72x128xf32, #tpu.memory_space<vmem>> -> memref<1x1x72x128xf32, #tpu.memory_space<vmem>>
        %dma_start3A_523 = tpu.memref_squeeze %dma_start3A_522 : memref<1x1x72x128xf32, #tpu.memory_space<vmem>> -> memref<72x128xf32, #tpu.memory_space<vmem>>
        %dma_start3A_524 = arith.constant 0 : i32
        %dma_start3A_525 = tpu.memref_slice %arg4[%multiple_of3A_454, %dma_start3A_524] : memref<200000x128xf32, #tpu.memory_space<hbm>> -> memref<72x128xf32, #tpu.memory_space<hbm>>
        %dma_start3A_526 = tpu.memref_slice %arg12[%rem3A_310] : memref<2x!tpu.dma_semaphore, #tpu.memory_space<semaphore_mem>> -> memref<1x!tpu.dma_semaphore, #tpu.memory_space<semaphore_mem>>
        %dma_start3A_527 = tpu.memref_squeeze %dma_start3A_526 : memref<1x!tpu.dma_semaphore, #tpu.memory_space<semaphore_mem>> -> memref<!tpu.dma_semaphore, #tpu.memory_space<semaphore_mem>>
        %dma_start3A_528 = arith.constant 0 : i32
        %dma_start3A_529 = arith.constant 0 : i32
        %dma_start3A_530 = tpu.memref_slice %arg10[%rem3A_310, %dma_start3A_519, %dma_start3A_528, %dma_start3A_529] : memref<2x4x72x128xf32, #tpu.memory_space<vmem>> -> memref<1x1x72x128xf32, #tpu.memory_space<vmem>>
        %dma_start3A_531 = tpu.memref_squeeze %dma_start3A_530 : memref<1x1x72x128xf32, #tpu.memory_space<vmem>> -> memref<72x128xf32, #tpu.memory_space<vmem>>
        %dma_start3A_532 = arith.constant 0 : i32
        %dma_start3A_533 = tpu.memref_slice %arg4[%multiple_of3A_454, %dma_start3A_532] : memref<200000x128xf32, #tpu.memory_space<hbm>> -> memref<72x128xf32, #tpu.memory_space<hbm>>
        tpu.enqueue_dma source(%dma_start3A_533 : memref<72x128xf32, #tpu.memory_space<hbm>>) target(%dma_start3A_531 : memref<72x128xf32, #tpu.memory_space<vmem>>) target_semaphore(%dma_start3A_527 : memref<!tpu.dma_semaphore, #tpu.memory_space<semaphore_mem>>)
        %dma_start3A_534 = arith.constant 3 : i32
        %dma_start3A_535 = arith.constant 0 : i32
        %dma_start3A_536 = arith.constant 0 : i32
        %dma_start3A_537 = tpu.memref_slice %arg10[%rem3A_310, %dma_start3A_534, %dma_start3A_535, %dma_start3A_536] : memref<2x4x72x128xf32, #tpu.memory_space<vmem>> -> memref<1x1x72x128xf32, #tpu.memory_space<vmem>>
        %dma_start3A_538 = tpu.memref_squeeze %dma_start3A_537 : memref<1x1x72x128xf32, #tpu.memory_space<vmem>> -> memref<72x128xf32, #tpu.memory_space<vmem>>
        %dma_start3A_539 = arith.constant 0 : i32
        %dma_start3A_540 = tpu.memref_slice %arg4[%multiple_of3A_456, %dma_start3A_539] : memref<200000x128xf32, #tpu.memory_space<hbm>> -> memref<72x128xf32, #tpu.memory_space<hbm>>
        %dma_start3A_541 = tpu.memref_slice %arg12[%rem3A_310] : memref<2x!tpu.dma_semaphore, #tpu.memory_space<semaphore_mem>> -> memref<1x!tpu.dma_semaphore, #tpu.memory_space<semaphore_mem>>
        %dma_start3A_542 = tpu.memref_squeeze %dma_start3A_541 : memref<1x!tpu.dma_semaphore, #tpu.memory_space<semaphore_mem>> -> memref<!tpu.dma_semaphore, #tpu.memory_space<semaphore_mem>>
        %dma_start3A_543 = arith.constant 0 : i32
        %dma_start3A_544 = arith.constant 0 : i32
        %dma_start3A_545 = tpu.memref_slice %arg10[%rem3A_310, %dma_start3A_534, %dma_start3A_543, %dma_start3A_544] : memref<2x4x72x128xf32, #tpu.memory_space<vmem>> -> memref<1x1x72x128xf32, #tpu.memory_space<vmem>>
        %dma_start3A_546 = tpu.memref_squeeze %dma_start3A_545 : memref<1x1x72x128xf32, #tpu.memory_space<vmem>> -> memref<72x128xf32, #tpu.memory_space<vmem>>
        %dma_start3A_547 = arith.constant 0 : i32
        %dma_start3A_548 = tpu.memref_slice %arg4[%multiple_of3A_456, %dma_start3A_547] : memref<200000x128xf32, #tpu.memory_space<hbm>> -> memref<72x128xf32, #tpu.memory_space<hbm>>
        tpu.enqueue_dma source(%dma_start3A_548 : memref<72x128xf32, #tpu.memory_space<hbm>>) target(%dma_start3A_546 : memref<72x128xf32, #tpu.memory_space<vmem>>) target_semaphore(%dma_start3A_542 : memref<!tpu.dma_semaphore, #tpu.memory_space<semaphore_mem>>)
      } else {
      }
    }
    %scan3A_269 = arith.constant 16 : i32
    %add3A_270 = arith.constant 896 : i32
    %add3A_271 = arith.addi %mul3A_0, %add3A_270 : i32
    %dma_wait3A = arith.constant 0 : i32
    %dma_wait3A_272 = arith.constant 0 : i32
    %dma_wait3A_273 = arith.constant 0 : i32
    %dma_wait3A_274 = arith.constant 0 : i32
    %dma_wait3A_275 = tpu.memref_slice %arg11[%dma_wait3A, %dma_wait3A_273, %dma_wait3A_274] : memref<2x64x128xf32, #tpu.memory_space<vmem>> -> memref<1x64x128xf32, #tpu.memory_space<vmem>>
    %dma_wait3A_276 = tpu.memref_squeeze %dma_wait3A_275 : memref<1x64x128xf32, #tpu.memory_space<vmem>> -> memref<64x128xf32, #tpu.memory_space<vmem>>
    %dma_wait3A_277 = arith.constant 0 : i32
    %dma_wait3A_278 = tpu.memref_slice %arg6[%arg1, %add3A_271, %dma_wait3A_277] : memref<16x2048x128xf32, #tpu.memory_space<hbm>> -> memref<1x64x128xf32, #tpu.memory_space<hbm>>
    %dma_wait3A_279 = tpu.memref_squeeze %dma_wait3A_278 : memref<1x64x128xf32, #tpu.memory_space<hbm>> -> memref<64x128xf32, #tpu.memory_space<hbm>>
    %dma_wait3A_280 = tpu.memref_slice %arg13[%dma_wait3A_272] : memref<2x!tpu.dma_semaphore, #tpu.memory_space<semaphore_mem>> -> memref<1x!tpu.dma_semaphore, #tpu.memory_space<semaphore_mem>>
    %dma_wait3A_281 = tpu.memref_squeeze %dma_wait3A_280 : memref<1x!tpu.dma_semaphore, #tpu.memory_space<semaphore_mem>> -> memref<!tpu.dma_semaphore, #tpu.memory_space<semaphore_mem>>
    %dma_wait3A_282 = arith.constant 0 : i32
    %dma_wait3A_283 = tpu.memref_slice %arg6[%arg1, %add3A_271, %dma_wait3A_282] : memref<16x2048x128xf32, #tpu.memory_space<hbm>> -> memref<1x64x128xf32, #tpu.memory_space<hbm>>
    %dma_wait3A_284 = tpu.memref_squeeze %dma_wait3A_283 : memref<1x64x128xf32, #tpu.memory_space<hbm>> -> memref<64x128xf32, #tpu.memory_space<hbm>>
    %dma_wait3A_285 = arith.constant 0 : i32
    %dma_wait3A_286 = arith.constant 0 : i32
    %dma_wait3A_287 = tpu.memref_slice %arg11[%dma_wait3A, %dma_wait3A_285, %dma_wait3A_286] : memref<2x64x128xf32, #tpu.memory_space<vmem>> -> memref<1x64x128xf32, #tpu.memory_space<vmem>>
    %dma_wait3A_288 = tpu.memref_squeeze %dma_wait3A_287 : memref<1x64x128xf32, #tpu.memory_space<vmem>> -> memref<64x128xf32, #tpu.memory_space<vmem>>
    tpu.wait_dma2 semaphore(%dma_wait3A_281 : memref<!tpu.dma_semaphore, #tpu.memory_space<semaphore_mem>>) src(%dma_wait3A_288 : memref<64x128xf32, #tpu.memory_space<vmem>>) dst(%dma_wait3A_284 : memref<64x128xf32, #tpu.memory_space<hbm>>)
    %add3A_289 = arith.constant 960 : i32
    %add3A_290 = arith.addi %mul3A_0, %add3A_289 : i32
    %dma_wait3A_291 = arith.constant 1 : i32
    %dma_wait3A_292 = arith.constant 1 : i32
    %dma_wait3A_293 = arith.constant 0 : i32
    %dma_wait3A_294 = arith.constant 0 : i32
    %dma_wait3A_295 = tpu.memref_slice %arg11[%dma_wait3A_291, %dma_wait3A_293, %dma_wait3A_294] : memref<2x64x128xf32, #tpu.memory_space<vmem>> -> memref<1x64x128xf32, #tpu.memory_space<vmem>>
    %dma_wait3A_296 = tpu.memref_squeeze %dma_wait3A_295 : memref<1x64x128xf32, #tpu.memory_space<vmem>> -> memref<64x128xf32, #tpu.memory_space<vmem>>
    %dma_wait3A_297 = arith.constant 0 : i32
    %dma_wait3A_298 = tpu.memref_slice %arg6[%arg1, %add3A_290, %dma_wait3A_297] : memref<16x2048x128xf32, #tpu.memory_space<hbm>> -> memref<1x64x128xf32, #tpu.memory_space<hbm>>
    %dma_wait3A_299 = tpu.memref_squeeze %dma_wait3A_298 : memref<1x64x128xf32, #tpu.memory_space<hbm>> -> memref<64x128xf32, #tpu.memory_space<hbm>>
    %dma_wait3A_300 = tpu.memref_slice %arg13[%dma_wait3A_292] : memref<2x!tpu.dma_semaphore, #tpu.memory_space<semaphore_mem>> -> memref<1x!tpu.dma_semaphore, #tpu.memory_space<semaphore_mem>>
    %dma_wait3A_301 = tpu.memref_squeeze %dma_wait3A_300 : memref<1x!tpu.dma_semaphore, #tpu.memory_space<semaphore_mem>> -> memref<!tpu.dma_semaphore, #tpu.memory_space<semaphore_mem>>
    %dma_wait3A_302 = arith.constant 0 : i32
    %dma_wait3A_303 = tpu.memref_slice %arg6[%arg1, %add3A_290, %dma_wait3A_302] : memref<16x2048x128xf32, #tpu.memory_space<hbm>> -> memref<1x64x128xf32, #tpu.memory_space<hbm>>
    %dma_wait3A_304 = tpu.memref_squeeze %dma_wait3A_303 : memref<1x64x128xf32, #tpu.memory_space<hbm>> -> memref<64x128xf32, #tpu.memory_space<hbm>>
    %dma_wait3A_305 = arith.constant 0 : i32
    %dma_wait3A_306 = arith.constant 0 : i32
    %dma_wait3A_307 = tpu.memref_slice %arg11[%dma_wait3A_291, %dma_wait3A_305, %dma_wait3A_306] : memref<2x64x128xf32, #tpu.memory_space<vmem>> -> memref<1x64x128xf32, #tpu.memory_space<vmem>>
    %dma_wait3A_308 = tpu.memref_squeeze %dma_wait3A_307 : memref<1x64x128xf32, #tpu.memory_space<vmem>> -> memref<64x128xf32, #tpu.memory_space<vmem>>
    tpu.wait_dma2 semaphore(%dma_wait3A_301 : memref<!tpu.dma_semaphore, #tpu.memory_space<semaphore_mem>>) src(%dma_wait3A_308 : memref<64x128xf32, #tpu.memory_space<vmem>>) dst(%dma_wait3A_304 : memref<64x128xf32, #tpu.memory_space<hbm>>)
    return
  }
}

</mosaic_0001>

<sc_bundles>
// kernel: kernel.3.cloned.1.call-start
scs
__scs_entry_jumppad:
0x0: {  	(pc) =	sbr.rel $0x88, $3  }
0x1: {  	(tag) =	ssettag $0x0;
	lr =	simm.s32 $0x1  }
0x2: {  	[smem:$0x3F9B] =	sst lr;
	_ =	strace $0xD0000000  }
0x3: {  	_ = 	snop  }
0x4: {  	_ = 	snop  }
0x5: {  	_ = 	snop  }
0x6: {  	_ = 	snop  }
0x7: {  	_ = 	snop  }
__scs_overlays_trampoline_lowered:
0x8: {  	[smem:$0x3FAA] =	sst s0  }
0x9: {  	[smem:$0x3FAB] =	sst s1  }
0xa: {  	[smem:$0x3FAC] =	sst s2  }
0xb: {  	[smem:$0x3FAD] =	sst s3  }
0xc: {  	[smem:$0x3FAE] =	sst s4  }
0xd: {  	[smem:$0x3FAF] =	sst s5  }
0xe: {  	[smem:$0x3FB0] =	sst s6  }
0xf: {  	[smem:$0x3FB1] =	sst s7  }
0x10: {  	[smem:$0x3FB2] =	sst s8  }
0x11: {  	[smem:$0x3FB3] =	sst s9;
	s0 =	simm.s32 @!p0 $0x0  }
0x12: {  	s1 =	sld [smem:$0x3F99];
	s0 =	simm.s32 @p0 $0x1  }
0x13: {  	[smem:$0x3FB4] =	sst s0;
	s0 =	simm.s32 @!p1 $0x0  }
0x14: {  	s2 =	sld [smem:$0x3F98];
	s0 =	simm.s32 @p1 $0x1  }
0x15: {  	[smem:$0x3FB5] =	sst s0;
	s0 =	simm.s32 @!p2 $0x0  }
0x16: {  	s3 =	sld [smem:$0x3FDB];
	s0 =	simm.s32 @p2 $0x1  }
0x17: {  	s4 =	simm.s32 $0x1BF5;
	[smem:$0x3FB7] =	sst s0  }
0x18: {  	s0 =	sld [smem:$0x3F9A];
	_ =	swait.ge [sflag:s4], $0x0  }
0x19: {  	s7 =	sld [smem:$0x3F9B]  }
0x1a: {  	s8 =	sadd.s32 $0xFFFFE003, lr  }
0x1b: {  	s9 =	sadd.s32 $0xFFFFFEF7, lr;
	s5 =	simm.s32 $0xFFFFFFFF;
	p2 =	slt.u32 s8, $0xFFFFF086  }
0x1c: {  	p1 =	slt.u32 s9, $0xF7A;
	s5 =	simm.s32 @!p2 $0x0  }
0x1d: {  	s5 =	simm.s32 @p1 $0x1;
	p0 =	seq.s32 s7, s2  }
0x1e: {  	s7 =	smul.u32 @!p0 $0xF7A, s2;
	p2 =	seq.s32 @!p0 s5, $0x0  }
0x1f: {  	s9 =	smul.u32 $0xF7A, s1;
	s8 =	simm.s32 @!p0 $0x1BF5;
	p2 =	por !p2, p0  }
0x20: {  	[sflag:s8] =	ssyncset.s32 @!p0 $0xFFFFF086;
	s6 =	sadd.s32 @!p0 s3, s7;
	s7 =	simm.s32 @!p0 $0x108  }
0x21: {  	s3 =	sadd.s32 s3, s9;
	s6 =	sadd.s32 @!p0 $0x88, s6;
	s7 =	simm.s32 @p2 $0x1082  }
0x22: {  	[simem:s7], [sflag:s8] =	dma.local @!p0 [hbm:s6], $0xF7A  }
0x23: {  	s9 =	sor.u32 $0xD0000000, s2;
	s6 =	simm.s32 $0x108;
	_ =	swait.ge @!p0 [sflag:s8], $0x0  }
0x24: {  	s3 =	sadd.s32 $0x88, s3;
	s6 =	simm.s32 @!p1 $0x1082;
	[sflag:s4] =	ssyncset.s32 $0xFFFFF086  }
0x25: {  	[simem:s6], [sflag:s4] =	dma.local [hbm:s3], $0xF7A  }
0x26: {  	[smem:$0x3F9B] =	sst s1;
	(tag) =	ssettag s2;
	_ =	strace s9  }
0x27: {  	s1 =	sld [smem:$0x3FAB]  }
0x28: {  	s2 =	sld [smem:$0x3FAC]  }
0x29: {  	s4 =	sld [smem:$0x3FAE]  }
0x2a: {  	p0 =	seq.s32 s5, $0x0;
	s5 =	sld [smem:$0x3FAF]  }
0x2b: {  	s6 =	sld [smem:$0x3FB0]  }
0x2c: {  	s7 =	sld [smem:$0x3FB1]  }
0x2d: {  	s3 =	simm.s32 $0x108;
	s8 =	sld [smem:$0x3FB2]  }
0x2e: {  	s3 =	simm.s32 @!p0 $0x1082;
	s9 =	sld [smem:$0x3FB3]  }
0x2f: {  	lr =	sadd.s32 s0, s3;
	s0 =	sld [smem:$0x3FAA]  }
0x30: {  	s3 =	sld [smem:$0x3FAD]  }
0x31: {  	[smem:$0x3FB6] =	sst s10  }
0x32: {  	s10 =	sld [smem:$0x3FB4];
	_ =	sdelay $0x3  }
0x33: {  	p0 =	seq.s32 s10, $0x1;
	s10 =	sld [smem:$0x3FB6];
	_ =	sdelay $0x3  }
0x34: {  	[smem:$0x3FB6] =	sst s10  }
0x35: {  	s10 =	sld [smem:$0x3FB5];
	_ =	sdelay $0x3  }
0x36: {  	p1 =	seq.s32 s10, $0x1;
	s10 =	sld [smem:$0x3FB6];
	_ =	sdelay $0x3  }
0x37: {  	[smem:$0x3FB6] =	sst s10  }
0x38: {  	s10 =	sld [smem:$0x3FB7]  }
0x39: {  	_ = 	snop;
	(pc) =	sbr.ind lr, $3  }
0x3a: {  	_ = 	snop  }
0x3b: {  	_ = 	snop  }
0x3c: {  	p2 =	seq.s32 s10, $0x1;
	s10 =	sld [smem:$0x3FB6]  }
0x3d: {  	_ =	shalt  }
0x3e: {  	_ =	shalt  }
0x3f: {  	_ =	shalt  }
0x40: {  	_ =	shalt  }
0x41: {  	_ =	shalt  }
0x42: {  	_ =	shalt  }
0x43: {  	_ =	shalt  }
0x44: {  	_ =	shalt  }
0x45: {  	_ =	shalt  }
0x46: {  	_ =	shalt  }
0x47: {  	_ =	shalt  }
0x48: {  	_ =	shalt  }
0x49: {  	_ =	shalt  }
0x4a: {  	_ =	shalt  }
0x4b: {  	_ =	shalt  }
0x4c: {  	_ =	shalt  }
0x4d: {  	_ =	shalt  }
0x4e: {  	_ =	shalt  }
0x4f: {  	_ =	shalt  }
0x50: {  	_ =	shalt  }
0x51: {  	_ =	shalt  }
0x52: {  	_ =	shalt  }
0x53: {  	_ =	shalt  }
0x54: {  	_ =	shalt  }
0x55: {  	_ =	shalt  }
0x56: {  	_ =	shalt  }
0x57: {  	_ =	shalt  }
0x58: {  	_ =	shalt  }
0x59: {  	_ =	shalt  }
0x5a: {  	_ =	shalt  }
0x5b: {  	_ =	shalt  }
0x5c: {  	_ =	shalt  }
0x5d: {  	_ =	shalt  }
0x5e: {  	_ =	shalt  }
0x5f: {  	_ =	shalt  }
0x60: {  	_ =	shalt  }
0x61: {  	_ =	shalt  }
0x62: {  	_ =	shalt  }
0x63: {  	_ =	shalt  }
0x64: {  	_ =	shalt  }
0x65: {  	_ =	shalt  }
0x66: {  	_ =	shalt  }
0x67: {  	_ =	shalt  }
0x68: {  	_ =	shalt  }
0x69: {  	_ =	shalt  }
0x6a: {  	_ =	shalt  }
0x6b: {  	_ =	shalt  }
0x6c: {  	_ =	shalt  }
0x6d: {  	_ =	shalt  }
0x6e: {  	_ =	shalt  }
0x6f: {  	_ =	shalt  }
0x70: {  	_ =	shalt  }
0x71: {  	_ =	shalt  }
0x72: {  	_ =	shalt  }
0x73: {  	_ =	shalt  }
0x74: {  	_ =	shalt  }
0x75: {  	_ =	shalt  }
0x76: {  	_ =	shalt  }
0x77: {  	_ =	shalt  }
0x78: {  	_ =	shalt  }
0x79: {  	_ =	shalt  }
0x7a: {  	_ =	shalt  }
0x7b: {  	_ =	shalt  }
0x7c: {  	_ =	shalt  }
0x7d: {  	_ =	shalt  }
0x7e: {  	_ =	shalt  }
0x7f: {  	_ =	shalt  }
0x80: {  	_ =	shalt  }
0x81: {  	_ =	shalt  }
0x82: {  	_ =	shalt  }
0x83: {  	_ =	shalt  }
0x84: {  	_ =	shalt  }
0x85: {  	_ =	shalt  }
0x86: {  	_ =	shalt  }
0x87: {  	_ =	shalt  }
.Lfunc_end0:
.L_simem_size_0:
called_computation_lowered:
.L_overlay_start_0:
0x88: {  	s2 =	sld [smem:$0x3FD9]  }
0x89: {  	s3 =	sld [smem:$0x3FFE];
	_ =	sdelay $0x1  }
0x8a: {  	s1 =	srdreg.scid  }
0x8b: {  	s0 =	sand.u32 $0x1, s1  }
0x8c: {  	s17 =	sshll.u32 s0, $0xA;
	s2 =	sadd.s32 s3, s2  }
0x8d: {  	s2 =	sadd.s32 s2, s17  }
0x8e: {  	[smem:$0x3FC2] =	sst s2  }
0x8f: {  	_ = 	snop  }
0x90: {  	s2 =	sld [smem:$0x3FC9]  }
0x91: {  	s18 =	sld [smem:$0x3FC7]  }
0x92: {  	s4 =	sld [smem:$0x3FD0];
	(tm) =	ssettm $0x1  }
0x93: {  	s5 =	sld [smem:$0x3FFB];
	_ =	sdelay $0x3  }
0x94: {  	_ =	strace s5  }
0x95: {  	s5 =	sld [smem:$0x3FFC];
	_ =	sdelay $0x3  }
0x96: {  	_ =	strace s5  }
0x97: {  	s5 =	sld [smem:$0x3FFD];
	_ =	sdelay $0x3  }
0x98: {  	_ =	strace s5  }
0x99: {  	_ =	strace $0x8FFFFFFF  }
0x9a: {  	s19 =	sld [smem:$0x3FDB];
	_ =	sdelay $0x1  }
0x9b: {  	s6 =	simm.s32 $_scs_section_size  }
0x9c: {  	s7 =	simm.s32 $_size__tile_overlayer_lowered;
	s8 =	simm.s32 $_tile_overlayer_lowered  }
0x9d: {  	s22 =	simm.s32 $0x1BFF;
	s21 =	sshll.u32 s8, $0x1;
	s5 =	sadd.s32 s6, s19  }
0x9e: {  	s9 =	simm.s32 $0x0;
	s20 =	sshll.u32 s7, $0x1;
	s7 =	sadd.s32 s21, s5  }
0x9f: {  	[timem:s9], [sflag:s22] =	dma.local [hbm:s7], s20  }
0xa0: {  	_ =	swait.ge [sflag:s22], s20  }
0xa1: {  	s6 =	ssub.s32 $0x0, s20;
	[sflag:s22] =	ssyncset.done $0x0  }
0xa2: {  	[sflag:s22] =	ssyncadd.s32 s6;
	_ =	sdelay $0x1  }
0xa3: {  	s23 =	simm.s32 $0x1B8B  }
0xa4: {  	_ =	swait.ge [sflag:s23], $0x1  }
0xa5: {  	[sflag:s23] =	ssyncset.done $0x0  }
0xa6: {  	s25 =	simm.s32 $0x1B8E;
	s24 =	sld [smem:$0x3FFE];
	[sflag:s23] =	ssyncadd.s32 $0xFFFFFFFF  }
0xa7: {  	s26 =	simm.s32 $execute0_lowered;
	[smem:$0x3FD2] =	sst s25  }
0xa8: {  	s7 =	sshll.u32 s26, $0x1;
	_ =	strace $0x80000046;
	[dreg:$0x1] =	wrdreg $0xFFFFFFFF  }
0xa9: {  	s28 =	simm.s32 $_size_execute0_lowered;
	s5 =	sadd.s32 s5, s7;
	[dreg:$0x0] =	wrdreg $0x0  }
0xaa: {  	s7 =	sshll.u32 s28, $0x1;
	[dreg:$0x2] =	wrdreg s5  }
0xab: {  	[dreg:$0x3] =	wrdreg s7  }
0xac: {  	[dreg:$0x4] =	wrdreg $0xC0  }
0xad: {  	_ =	task [dreg:s9], $0x5FFFF  }
0xae: {  	[dreg:$0x1] =	wrdreg $0xFFFFFFFF  }
0xaf: {  	[dreg:$0x0] =	wrdreg $0x60  }
0xb0: {  	[dreg:$0x2] =	wrdreg s2  }
0xb1: {  	[dreg:$0x3] =	wrdreg s24  }
0xb2: {  	[dreg:$0x4] =	wrdreg s18  }
0xb3: {  	[dreg:$0x5] =	wrdreg s4  }
0xb4: {  	[dreg:$0x6] =	wrdreg $0x9  }
0xb5: {  	_ =	task.clear_ibuf [dreg:s9], $0x7FFFF;
	_ =	strace $0x90000046  }
0xb6: {  	s29 =	simm.s32 $0x9;
	_ =	strace $0x80000048  }
0xb7: {  	_ =	swait.ge [sflag:s29], $0x1  }
0xb8: {  	[sflag:s29] =	ssyncadd.s32 $0xFFFFFFFF  }
0xb9: {  	_ =	strace $0x90000048  }
0xba: {  	_ =	sfence  }
0xbb: {  	s30 =	sld [smem:$0x0];
	_ =	sdelay $0x2  }
0xbc: {  	s31 =	sshll.u32 s1, $0xD;
	s1 =	sshrl.u32 s1, $0x2  }
0xbd: {  	s3 =	sand.u32 $0x4000, s31;
	s1 =	sadd.s32 s1, s30  }
0xbe: {  	s0 =	sor.u32 s3, s0;
	s1 =	sshll.u32 s1, $0x11  }
0xbf: {  	s0 =	sor.u32 s1, s0  }
0xc0: {  	s0 =	sadd.s32 $0x8F2B, s0  }
0xc1: {  	[sflag:s0] =	ssyncadd.remote.s32 $0x1  }
0xc2: {  	_ =	sfence.sel $0xFFFF  }
0xc3: {  	[dreg:$0x0] =	wrdreg $0xFFFFFFFF;
	(pc) =	sbr.abs _section_cstart, $3  }
0xc4: {  	[dreg:$0x1] =	wrdreg $0xFFFFFFFF  }
0xc5: {  	_ =	task.clear_ibuf [dreg:s9], $0x2FFFF;
	_ =	strace $0x9FFFFFFF  }
0xc6: {  	(tm) =	ssettm $0x7FFFFFFF  }
0xc7: {  	_ =	shalt  }
tec
execute0_lowered:
.L_overlay_start_1:
0x0: {  	(tag) =	ssettag $0x1  }
0x1: {  	s5 =	rddreg [dreg:$0x0]  }
0x2: {  	s0 =	rddreg [dreg:$0x1];
	s2 =	simm.s32 $0x0;
	s1 =	srdreg.scid  }
0x3: {  	s6 =	stileid.u32;
	[smem:$0x7FF] =	sst s2  }
0x4: {  	s1 =	sand.u32 $0x1, s1;
	s7 =	sadd.s32 $0x400, s0;
	s22 =	sshll.u32 s6, $0x12  }
0x5: {  	s3 =	sshll.u32 s6, $0x4;
	_ =	strace $0x80000047;
	[dreg:$0x7] =	wrdreg s22  }
0x6: {  	s0 =	sadd.s32 s3, s0;
	s21 =	sshll.u32 s1, $0xA;
	[dreg:$0x5] =	wrdreg s7  }
0x7: {  	s20 =	ssub.s32 $0x2, s1;
	s8 =	sadd.s32 $0x200, s0;
	[dreg:$0x6] =	wrdreg s21  }
0x8: {  	s1 =	sshll.u32 s1, $0x11;
	s23 =	sor.u32 $0x40, s21;
	[dreg:$0x9] =	wrdreg s8  }
0x9: {  	s4 =	sshrl.u32 s20, $0x1;
	s0 =	sadd.s32 $0x300, s0;
	[dreg:$0x8] =	wrdreg s23  }
0xa: {  	s24 =	sor.u32 s1, s22;
	s30 =	sor.u32 $0x80, s21;
	[dreg:$0xb] =	wrdreg s0  }
0xb: {  	s2 =	ssub.s32 s20, s4;
	[dreg:$0xa] =	wrdreg s24;
	s26 =	sshrl.u32 s24, $0x3  }
0xc: {  	s25 =	sshll.u32 s23, $0x7;
	[dreg:$0x10] =	wrdreg s30;
	s28 =	sadd.s32 s5, s26  }
0xd: {  	s1 =	sor.u32 s22, s25;
	s0 =	sadd.s32 s7, s26;
	[dreg:$0xc] =	wrdreg s28  }
0xe: {  	s31 =	smax.u32 s2, $0x1;
	[dreg:$0xd] =	wrdreg s0;
	s29 =	sshrl.u32 s1, $0x3  }
0xf: {  	[dreg:$0x11] =	wrdreg s31;
	s1 =	sadd.s32 s5, s29  }
0x10: {  	s0 =	sadd.s32 s7, s29;
	[dreg:$0xe] =	wrdreg s1  }
0x11: {  	s2 =	simm.s32 $0x0;
	[dreg:$0xf] =	wrdreg s0  }
.LBB2_1:
0x12: {  	[dreg:$0x12] =	wrdreg s2  }
0x13: {  	s3 =	simm.s32 $0x0;
	s0 =	rddreg [dreg:$0x9];
	s1 =	simm.s32 $0x5  }
0x14: {  	[tilespmem:s3], [sflag:$0x5] =	stream.linear.gather [hbm4b:s0+s3], $0x80, $0x38;
	[tilespmem:$0x1E100] =	vst v63  }
0x15: {  	_ =	swait.ge [sflag:s1], $0x80  }
0x16: {  	[sflag:s1] =	ssyncset.done $0x0  }
0x17: {  	s16 =	simm.s32 $0x80;
	s15 =	rddreg [dreg:$0xb];
	[sflag:s1] =	ssyncadd.s32 $0xFFFFFF80  }
0x18: {  	[tilespmem:s16], [sflag:$0x5] =	stream.linear.gather [hbm4b:s15+s3], $0x80, $0x38;
	[tilespmem:$0x1E100] =	vst v63  }
0x19: {  	_ =	swait.ge [sflag:s1], $0x80  }
0x1a: {  	[sflag:s1] =	ssyncset.done $0x0  }
0x1b: {  	[sflag:s1] =	ssyncadd.s32 $0xFFFFFF80  }
0x1c: {  	v0 =	vld [tilespmem:$0x80];
	_ =	sdelay $0x4  }
0x1d: {  	v0 =	vtrunc.f32 v0  }
0x1e: {  	v0 =	vcvt.f32.s32 v0;
	_ =	sdelay $0x1  }
0x1f: {  	(v2sf) =	vpush v0, $0x0;
	_ =	sdelay $0x1  }
0x20: {  	(v2sf) =	vpush v0, $0x1;
	_ =	sdelay $0x1  }
0x21: {  	(v2sf) =	vpush v0, $0x2;
	_ =	sdelay $0x2  }
0x22: {  	(v2sf) =	vpush v0, $0x3;
	_ =	sdelay $0x2  }
0x23: {  	s17 =	rddreg [dreg:$0xc]  }
0x24: {  	s18 =	simm.s32 $0x4100;
	s21 =	simm.s32 $0x100;
	s4 =	rddreg [dreg:$0x6]  }
0x25: {  	v3 =	vld [tilespmem:$0x0];
	[tilespmem:s18], [sflag:$0x1] =	stream.linear.gather [hbm4b:s17+s3], $0x2000, $0x38  }
0x26: {  	s5 =	simm.s32 $0x8100;
	s25 =	simm.s32 $0xA500;
	s20 =	rddreg [dreg:$0xd]  }
0x27: {  	[tilespmem:s21], [sflag:$0x1] =	stream.linear.gather [hbm4b:s20+s3], $0x2000, $0x38;
	[tilespmem:$0x1E100] =	vst v63  }
0x28: {  	s11 =	simm.s32 $0xED00;
	s12 =	rddreg [dreg:$0xe];
	s6 =	spop (v2sf)  }
0x29: {  	s13 =	simm.s32 $0x6100;
	s14 =	rddreg [dreg:$0x8];
	s19 =	sadd.s32 s4, s6  }
0x2a: {  	s16 =	rddreg [dreg:$0xf];
	s7 =	spop (v2sf);
	s0 =	sshll.u32 s19, $0x4  }
0x2b: {  	s2 =	rddreg [dreg:$0x2];
	s22 =	sadd.s32 s4, s7;
	s0 =	sand.u32 $0xFFFFF80, s0  }
0x2c: {  	s8 =	spop (v2sf);
	s23 =	sshll.u32 s22, $0x4;
	s0 =	sadd.s32 s2, s0  }
0x2d: {  	[tilespmem:s5], [sflag:$0x1] =	stream.linear.gather [hbm4b:s0+s3], $0x2400, $0x38;
	[tilespmem:$0x1E100] =	vst v63  }
0x2e: {  	s17 =	simm.s32 $0x2100;
	s24 =	sadd.s32 s4, s8;
	s0 =	sand.u32 $0xFFFFF80, s23  }
0x2f: {  	s9 =	spop (v2sf);
	s26 =	sshll.u32 s24, $0x4;
	s0 =	sadd.s32 s2, s0  }
0x30: {  	[tilespmem:s25], [sflag:$0x1] =	stream.linear.gather [hbm4b:s0+s3], $0x2400, $0x38;
	[tilespmem:$0x1E100] =	vst v63  }
0x31: {  	s15 =	sadd.s32 s14, s6;
	s30 =	sadd.s32 s4, s9;
	s0 =	sand.u32 $0xFFFFF80, s26  }
0x32: {  	s5 =	simm.s32 $0xC900;
	s10 =	sshll.u32 s30, $0x4;
	s0 =	sadd.s32 s2, s0  }
0x33: {  	[tilespmem:s5], [sflag:$0x1] =	stream.linear.gather [hbm4b:s0+s3], $0x2400, $0x38;
	[tilespmem:$0x1E100] =	vst v63  }
0x34: {  	[dreg:$0x13] =	wrdreg s6;
	s28 =	sand.u32 $0x7, s6;
	s0 =	sand.u32 $0xFFFFF80, s10  }
0x35: {  	s18 =	sadd.s32 s14, s7;
	s19 =	simm.s32 $0x11100;
	s0 =	sadd.s32 s2, s0  }
0x36: {  	[tilespmem:s11], [sflag:$0x1] =	stream.linear.gather [hbm4b:s0+s3], $0x2400, $0x38;
	[tilespmem:$0x1E100] =	vst v63  }
0x37: {  	[dreg:$0x14] =	wrdreg s7;
	s29 =	sand.u32 $0x7, s7;
	s0 =	sshll.u32 s15, $0x4  }
0x38: {  	[tilespmem:s13], [sflag:$0x2] =	stream.linear.gather [hbm4b:s12+s3], $0x2000, $0x38;
	[tilespmem:$0x1E100] =	vst v63  }
0x39: {  	[dreg:$0x17] =	wrdreg s28;
	s20 =	sshll.u32 s18, $0x4;
	s0 =	sand.u32 $0xFFFFF80, s0  }
0x3a: {  	[tilespmem:s17], [sflag:$0x2] =	stream.linear.gather [hbm4b:s16+s3], $0x2000, $0x38;
	[tilespmem:$0x1E100] =	vst v63  }
0x3b: {  	s21 =	sadd.s32 s14, s8;
	s22 =	simm.s32 $0x13500;
	s0 =	sadd.s32 s2, s0  }
0x3c: {  	[tilespmem:s19], [sflag:$0x2] =	stream.linear.gather [hbm4b:s0+s3], $0x2400, $0x38;
	[tilespmem:$0x1E100] =	vst v63  }
0x3d: {  	[dreg:$0x15] =	wrdreg s8;
	s31 =	sand.u32 $0x7, s8;
	s0 =	sand.u32 $0xFFFFF80, s20  }
0x3e: {  	[dreg:$0x18] =	wrdreg s29;
	s23 =	sshll.u32 s21, $0x4;
	s0 =	sadd.s32 s2, s0  }
0x3f: {  	[tilespmem:s22], [sflag:$0x2] =	stream.linear.gather [hbm4b:s0+s3], $0x2400, $0x38;
	[tilespmem:$0x1E100] =	vst v63  }
0x40: {  	s24 =	sadd.s32 s14, s9;
	[dreg:$0x16] =	wrdreg s9;
	s0 =	sand.u32 $0xFFFFF80, s23  }
0x41: {  	s25 =	simm.s32 $0x15900;
	s26 =	sshll.u32 s24, $0x4;
	s0 =	sadd.s32 s2, s0  }
0x42: {  	[tilespmem:s25], [sflag:$0x2] =	stream.linear.gather [hbm4b:s0+s3], $0x2400, $0x38;
	[tilespmem:$0x1E100] =	vst v63  }
0x43: {  	s4 =	sand.u32 $0x7, s9;
	s30 =	simm.s32 $0x17D00;
	s0 =	sand.u32 $0xFFFFF80, s26  }
0x44: {  	v1 =	vbroadcast v3, $0x0;
	v2 =	vbroadcast v3, $0x2;
	[dreg:$0x19] =	wrdreg s4;
	s5 =	simm.s32 $0x0;
	s0 =	sadd.s32 s2, s0  }
0x45: {  	v0 =	vbroadcast v3, $0x1;
	v3 =	vbroadcast v3, $0x3;
	[tilespmem:s30], [sflag:$0x2] =	stream.linear.gather [hbm4b:s0+s3], $0x2400, $0x38;
	[tilespmem:$0x1E100] =	vst v63  }
.LBB2_2:
0x46: {  	s2 =	sand.u32 $0x1, s5  }
0x47: {  	s1 =	sadd.s32 $0x1, s2  }
0x48: {  	_ =	swait.ge [sflag:s1], $0x2000  }
0x49: {  	[sflag:s1] =	ssyncset.done $0x0  }
0x4a: {  	[sflag:s1] =	ssyncadd.s32 $0xFFFFE000  }
0x4b: {  	_ =	swait.ge [sflag:s1], $0x2000  }
0x4c: {  	[sflag:s1] =	ssyncset.done $0x0  }
0x4d: {  	[sflag:s1] =	ssyncadd.s32 $0xFFFFE000  }
0x4e: {  	_ =	swait.ge [sflag:s1], $0x2400  }
0x4f: {  	[sflag:s1] =	ssyncset.done $0x0  }
0x50: {  	[sflag:s1] =	ssyncadd.s32 $0xFFFFDC00  }
0x51: {  	_ =	swait.ge [sflag:s1], $0x2400  }
0x52: {  	[sflag:s1] =	ssyncset.done $0x0  }
0x53: {  	[sflag:s1] =	ssyncadd.s32 $0xFFFFDC00  }
0x54: {  	_ =	swait.ge [sflag:s1], $0x2400  }
0x55: {  	[sflag:s1] =	ssyncset.done $0x0  }
0x56: {  	p0 =	slt.u32 s5, $0x2;
	s0 =	smul.u32 $0x24000, s2;
	[sflag:s1] =	ssyncadd.s32 $0xFFFFDC00  }
0x57: {  	s6 =	sshll.u32 s2, $0xD;
	_ =	swait.ge [sflag:s1], $0x2400;
	[dreg:$0x1a] =	wrdreg s5  }
0x58: {  	s3 =	sor.u32 $0x4100, s6;
	s0 =	sshrl.u32 s0, $0x2;
	[dreg:$0x1b] =	wrdreg s1  }
0x59: {  	s25 =	sadd.s32 $0xA500, s0;
	[dreg:$0x1d] =	wrdreg s2;
	[sflag:s1] =	ssyncset.done $0x0  }
0x5a: {  	[smem:$0x7FA] =	sst s3;
	[sflag:s1] =	ssyncadd.s32 $0xFFFFDC00;
	s1 =	sadd.s32 @!p0 $0x3, s2  }
0x5b: {  	s26 =	sadd.s32 $0xC900, s0;
	_ =	swait.ge @!p0 [sflag:s1], $0x2000;
	[dreg:$0x1f] =	wrdreg s25  }
0x5c: {  	s24 =	sadd.s32 $0x8100, s0;
	s0 =	sadd.s32 $0xED00, s0;
	[dreg:$0x1e] =	wrdreg s26  }
0x5d: {  	[dreg:$0x1c] =	wrdreg s0  }
0x5e: {  	v4 =	vmov s6;
	[smem:$0x7FB] =	sst s24  }
0x5f: {  	s30 =	sor.u32 $0x100, s6;
	v5 =	vmov s24;
	[sflag:s1] =	ssyncset.done @!p0 $0x0;
	[smem:$0x7FC] =	sst s6  }
0x60: {  	s21 =	simm.s32 $0x0;
	v6 =	vmov s25;
	v7 =	vmov s26;
	v8 =	vmov s0;
	[smem:$0x7FD] =	sst s30;
	[sflag:s1] =	ssyncadd.s32 @!p0 $0xFFFFE000  }
.LBB2_3:
0x61: {  	s0 =	sor.u32 s28, s21  }
0x62: {  	s19 =	sshll.u32 s21, $0x7;
	s1 =	sor.u32 s29, s21;
	s0 =	sshll.u32 s0, $0x7  }
0x63: {  	s2 =	sor.u32 s31, s21;
	v10 =	vld.idx.msk [tilespmem:v4+s19+$0x100 ss:$0x1], $0xffff;
	s1 =	sshll.u32 s1, $0x7;
	s0 =	sand.u32 $0x3FFFFF80, s0  }
0x64: {  	s3 =	sor.u32 s4, s21;
	s6 =	sshll.u32 s2, $0x7;
	s12 =	sand.u32 $0x3FFFFF80, s1;
	v13 =	vld.idx.msk [tilespmem:v5+s0+$0x0 ss:$0x1], $0xffff  }
0x65: {  	s7 =	sshll.u32 s3, $0x7;
	s25 =	sand.u32 $0x3FFFFF80, s6;
	v14 =	vld.idx.msk [tilespmem:v6+s12+$0x0 ss:$0x1], $0xffff  }
0x66: {  	s26 =	sand.u32 $0x3FFFFF80, s7;
	v15 =	vld.idx.msk [tilespmem:v7+s25+$0x0 ss:$0x1], $0xffff  }
0x67: {  	v16 =	vld.idx.msk [tilespmem:v8+s26+$0x0 ss:$0x1], $0xffff;
	_ =	sdelay $0x1  }
0x68: {  	v11 =	vmul.f32 v10, v1;
	v12 =	vmul.f32 v10, v0  }
0x69: {  	v9 =	vmul.f32 v10, v2;
	v10 =	vmul.f32 v10, v3  }
0x6a: {  	v13 =	vmul.f32 v13, v11;
	v14 =	vmul.f32 v14, v12  }
0x6b: {  	v15 =	vmul.f32 v15, v9;
	v16 =	vmul.f32 v16, v10  }
0x6c: {  	v17 =	vld.idx.msk [tilespmem:v4+s19+$0x4100 ss:$0x1], $0xffff  }
0x6d: {  	v13 =	vadd.f32 v14, v13;
	v26 =	vadd.f32 v16, v15;
	_ =	sdelay $0x1  }
0x6e: {  	v13 =	vadd.f32 v26, v13;
	_ =	sdelay $0x1  }
0x6f: {  	v13 =	vadd.f32 v13, v17;
	_ =	sdelay $0x1  }
0x70: {  	[tilespmem:v4+s19+$0x1A100 ss:$0x1] =	vst.idx.msk $0xffff, v13  }
0x71: {  	v13 =	vld.idx.msk [tilespmem:v5+s0+$0x10 ss:$0x1], $0xffff  }
0x72: {  	v27 =	vld.idx.msk [tilespmem:v6+s12+$0x10 ss:$0x1], $0xffff  }
0x73: {  	v28 =	vld.idx.msk [tilespmem:v7+s25+$0x10 ss:$0x1], $0xffff  }
0x74: {  	v29 =	vld.idx.msk [tilespmem:v8+s26+$0x10 ss:$0x1], $0xffff;
	_ =	sdelay $0x3  }
0x75: {  	v13 =	vmul.f32 v13, v11;
	v14 =	vmul.f32 v27, v12  }
0x76: {  	v15 =	vmul.f32 v28, v9;
	v16 =	vmul.f32 v29, v10  }
0x77: {  	v30 =	vld.idx.msk [tilespmem:v4+s19+$0x4110 ss:$0x1], $0xffff  }
0x78: {  	v13 =	vadd.f32 v14, v13;
	v31 =	vadd.f32 v16, v15;
	_ =	sdelay $0x1  }
0x79: {  	v13 =	vadd.f32 v31, v13;
	_ =	sdelay $0x1  }
0x7a: {  	v13 =	vadd.f32 v13, v30;
	_ =	sdelay $0x1  }
0x7b: {  	[tilespmem:v4+s19+$0x1A110 ss:$0x1] =	vst.idx.msk $0xffff, v13  }
0x7c: {  	v13 =	vld.idx.msk [tilespmem:v5+s0+$0x20 ss:$0x1], $0xffff  }
0x7d: {  	v32 =	vld.idx.msk [tilespmem:v6+s12+$0x20 ss:$0x1], $0xffff  }
0x7e: {  	v33 =	vld.idx.msk [tilespmem:v7+s25+$0x20 ss:$0x1], $0xffff  }
0x7f: {  	v34 =	vld.idx.msk [tilespmem:v8+s26+$0x20 ss:$0x1], $0xffff;
	_ =	sdelay $0x3  }
0x80: {  	v13 =	vmul.f32 v13, v11;
	v14 =	vmul.f32 v32, v12  }
0x81: {  	s8 =	sor.u32 $0x1, s21;
	v15 =	vmul.f32 v33, v9;
	v16 =	vmul.f32 v34, v10  }
0x82: {  	s15 =	rddreg [dreg:$0x19];
	s10 =	sadd.s32 s28, s8;
	v35 =	vld.idx.msk [tilespmem:v4+s19+$0x4120 ss:$0x1], $0xffff  }
0x83: {  	s9 =	sshll.u32 s8, $0x7;
	s11 =	sadd.s32 s29, s8;
	s2 =	sshll.u32 s10, $0x7;
	v13 =	vadd.f32 v14, v13;
	v36 =	vadd.f32 v16, v15  }
0x84: {  	s13 =	sadd.s32 s31, s8;
	v18 =	vld.idx.msk [tilespmem:v4+s9+$0x100 ss:$0x1], $0xffff;
	s14 =	sshll.u32 s11, $0x7;
	s10 =	sand.u32 $0x3FFFFF80, s2  }
0x85: {  	s1 =	sadd.s32 s15, s8;
	s16 =	sshll.u32 s13, $0x7;
	s2 =	sand.u32 $0x3FFFFF80, s14;
	v19 =	vld.idx.msk [tilespmem:v5+s10+$0x0 ss:$0x1], $0xffff;
	v13 =	vadd.f32 v36, v13  }
0x86: {  	s16 =	sand.u32 $0x3FFFFF80, s16;
	s1 =	sshll.u32 s1, $0x7;
	v20 =	vld.idx.msk [tilespmem:v6+s2+$0x0 ss:$0x1], $0xffff  }
0x87: {  	v37 =	vld.idx.msk [tilespmem:v7+s16+$0x0 ss:$0x1], $0xffff;
	s20 =	sand.u32 $0x3FFFFF80, s1;
	v13 =	vadd.f32 v13, v35  }
0x88: {  	v21 =	vld.idx.msk [tilespmem:v8+s20+$0x0 ss:$0x1], $0xffff  }
0x89: {  	[tilespmem:v4+s19+$0x1A120 ss:$0x1] =	vst.idx.msk $0xffff, v13  }
0x8a: {  	v15 =	vmul.f32 v18, v1;
	v16 =	vmul.f32 v18, v0;
	v22 =	vld.idx.msk [tilespmem:v5+s0+$0x30 ss:$0x1], $0xffff  }
0x8b: {  	v14 =	vmul.f32 v18, v3;
	v13 =	vmul.f32 v18, v2;
	v23 =	vld.idx.msk [tilespmem:v6+s12+$0x30 ss:$0x1], $0xffff  }
0x8c: {  	v19 =	vmul.f32 v19, v15;
	v20 =	vmul.f32 v20, v16;
	v38 =	vld.idx.msk [tilespmem:v7+s25+$0x30 ss:$0x1], $0xffff  }
0x8d: {  	v21 =	vmul.f32 v21, v14;
	v24 =	vld.idx.msk [tilespmem:v8+s26+$0x30 ss:$0x1], $0xffff;
	v17 =	vmul.f32 v37, v13  }
0x8e: {  	v25 =	vld.idx.msk [tilespmem:v4+s9+$0x4100 ss:$0x1], $0xffff  }
0x8f: {  	v19 =	vadd.f32 v20, v19;
	v17 =	vadd.f32 v21, v17;
	_ =	sdelay $0x1  }
0x90: {  	v39 =	vmul.f32 v22, v11;
	v40 =	vmul.f32 v23, v12;
	v17 =	vadd.f32 v17, v19  }
0x91: {  	v18 =	vmul.f32 v38, v9;
	v41 =	vmul.f32 v24, v10  }
0x92: {  	v42 =	vld.idx.msk [tilespmem:v4+s19+$0x4130 ss:$0x1], $0xffff;
	v17 =	vadd.f32 v17, v25  }
0x93: {  	v20 =	vadd.f32 v40, v39;
	v18 =	vadd.f32 v41, v18  }
0x94: {  	[tilespmem:v4+s9+$0x1A100 ss:$0x1] =	vst.idx.msk $0xffff, v17  }
0x95: {  	v43 =	vadd.f32 v18, v20;
	v44 =	vld.idx.msk [tilespmem:v5+s10+$0x10 ss:$0x1], $0xffff  }
0x96: {  	v45 =	vld.idx.msk [tilespmem:v6+s2+$0x10 ss:$0x1], $0xffff  }
0x97: {  	v46 =	vld.idx.msk [tilespmem:v7+s16+$0x10 ss:$0x1], $0xffff;
	v17 =	vadd.f32 v43, v42  }
0x98: {  	v47 =	vld.idx.msk [tilespmem:v8+s20+$0x10 ss:$0x1], $0xffff  }
0x99: {  	[tilespmem:v4+s19+$0x1A130 ss:$0x1] =	vst.idx.msk $0xffff, v17  }
0x9a: {  	v17 =	vld.idx.msk [tilespmem:v5+s0+$0x40 ss:$0x1], $0xffff  }
0x9b: {  	v48 =	vld.idx.msk [tilespmem:v6+s12+$0x40 ss:$0x1], $0xffff  }
0x9c: {  	s17 =	sor.u32 $0x2, s21;
	v49 =	vld.idx.msk [tilespmem:v7+s25+$0x40 ss:$0x1], $0xffff;
	v18 =	vmul.f32 v44, v15;
	v19 =	vmul.f32 v45, v16  }
0x9d: {  	s30 =	rddreg [dreg:$0x19];
	s23 =	sadd.s32 s29, s17;
	v50 =	vld.idx.msk [tilespmem:v8+s26+$0x40 ss:$0x1], $0xffff;
	v20 =	vmul.f32 v46, v13;
	v21 =	vmul.f32 v47, v14  }
0x9e: {  	s5 =	sadd.s32 s31, s17;
	s7 =	sshll.u32 s17, $0x7;
	s24 =	sshll.u32 s23, $0x7;
	v51 =	vld.idx.msk [tilespmem:v4+s9+$0x4110 ss:$0x1], $0xffff  }
0x9f: {  	s22 =	sadd.s32 s28, s17;
	s6 =	sshll.u32 s5, $0x7;
	v53 =	vld.idx.msk [tilespmem:v4+s7+$0x100 ss:$0x1], $0xffff;
	s13 =	sand.u32 $0x3FFFFF80, s24;
	v18 =	vadd.f32 v19, v18;
	v52 =	vadd.f32 v21, v20  }
0xa0: {  	s3 =	sshll.u32 s22, $0x7;
	s14 =	sand.u32 $0x3FFFFF80, s6;
	s1 =	sadd.s32 s30, s17;
	v55 =	vld.idx.msk [tilespmem:v6+s13+$0x0 ss:$0x1], $0xffff  }
0xa1: {  	s18 =	sand.u32 $0x3FFFFF80, s3;
	v58 =	vld.idx.msk [tilespmem:v7+s14+$0x0 ss:$0x1], $0xffff;
	s1 =	sshll.u32 s1, $0x7;
	v18 =	vadd.f32 v52, v18;
	v17 =	vmul.f32 v17, v11;
	v54 =	vmul.f32 v48, v12  }
0xa2: {  	s15 =	sand.u32 $0x3FFFFF80, s1;
	v27 =	vld.idx.msk [tilespmem:v5+s18+$0x0 ss:$0x1], $0xffff;
	v56 =	vmul.f32 v49, v9;
	v57 =	vmul.f32 v50, v10  }
0xa3: {  	v59 =	vld.idx.msk [tilespmem:v8+s15+$0x0 ss:$0x1], $0xffff;
	v18 =	vadd.f32 v18, v51  }
0xa4: {  	v17 =	vadd.f32 v54, v17;
	v23 =	vadd.f32 v57, v56  }
0xa5: {  	v26 =	vld.idx.msk [tilespmem:v4+s19+$0x4140 ss:$0x1], $0xffff;
	v20 =	vmul.f32 v53, v1;
	v19 =	vmul.f32 v53, v0;
	[tilespmem:v4+s9+$0x1A110 ss:$0x1] =	vst.idx.msk $0xffff, v18  }
0xa6: {  	v30 =	vld.idx.msk [tilespmem:v4+s7+$0x4100 ss:$0x1], $0xffff;
	v23 =	vadd.f32 v23, v17;
	v17 =	vmul.f32 v53, v2;
	v18 =	vmul.f32 v53, v3  }
0xa7: {  	v27 =	vmul.f32 v27, v20;
	v22 =	vmul.f32 v55, v19;
	v28 =	vld.idx.msk [tilespmem:v5+s10+$0x20 ss:$0x1], $0xffff  }
0xa8: {  	v29 =	vld.idx.msk [tilespmem:v6+s2+$0x20 ss:$0x1], $0xffff;
	v24 =	vmul.f32 v58, v17;
	v25 =	vmul.f32 v59, v18  }
0xa9: {  	v22 =	vadd.f32 v22, v27;
	v60 =	vld.idx.msk [tilespmem:v7+s16+$0x20 ss:$0x1], $0xffff  }
0xaa: {  	v61 =	vld.idx.msk [tilespmem:v8+s20+$0x20 ss:$0x1], $0xffff;
	v23 =	vadd.f32 v23, v26;
	v62 =	vadd.f32 v25, v24;
	_ =	sdelay $0x1  }
0xab: {  	v37 =	vld.idx.msk [tilespmem:v4+s9+$0x4120 ss:$0x1], $0xffff;
	[tilespmem:v4+s19+$0x1A140 ss:$0x1] =	vst.idx.msk $0xffff, v23;
	v22 =	vadd.f32 v62, v22  }
0xac: {  	v63 =	vld.idx.msk [tilespmem:v5+s0+$0x50 ss:$0x1], $0xffff  }
0xad: {  	v33 =	vld.idx.msk [tilespmem:v6+s12+$0x50 ss:$0x1], $0xffff;
	v34 =	vmul.f32 v28, v15;
	v35 =	vmul.f32 v29, v16;
	v22 =	vadd.f32 v22, v30  }
0xae: {  	v36 =	vld.idx.msk [tilespmem:v7+s25+$0x50 ss:$0x1], $0xffff;
	v21 =	vmul.f32 v60, v13;
	v26 =	vmul.f32 v61, v14  }
0xaf: {  	v38 =	vld.idx.msk [tilespmem:v8+s26+$0x50 ss:$0x1], $0xffff;
	[tilespmem:v4+s7+$0x1A100 ss:$0x1] =	vst.idx.msk $0xffff, v22  }
0xb0: {  	v27 =	vadd.f32 v35, v34;
	v21 =	vadd.f32 v26, v21;
	v22 =	vld.idx.msk [tilespmem:v5+s18+$0x10 ss:$0x1], $0xffff  }
0xb1: {  	v39 =	vld.idx.msk [tilespmem:v6+s13+$0x10 ss:$0x1], $0xffff  }
0xb2: {  	v21 =	vadd.f32 v21, v27;
	v40 =	vld.idx.msk [tilespmem:v7+s14+$0x10 ss:$0x1], $0xffff  }
0xb3: {  	v42 =	vld.idx.msk [tilespmem:v8+s15+$0x10 ss:$0x1], $0xffff  }
0xb4: {  	v24 =	vmul.f32 v63, v11;
	v25 =	vmul.f32 v33, v12;
	v21 =	vadd.f32 v21, v37  }
0xb5: {  	v43 =	vld.idx.msk [tilespmem:v4+s19+$0x4150 ss:$0x1], $0xffff;
	v23 =	vmul.f32 v36, v9;
	v41 =	vmul.f32 v38, v10  }
0xb6: {  	v49 =	vld.idx.msk [tilespmem:v4+s7+$0x4110 ss:$0x1], $0xffff;
	v44 =	vadd.f32 v25, v24;
	[tilespmem:v4+s9+$0x1A120 ss:$0x1] =	vst.idx.msk $0xffff, v21  }
0xb7: {  	v23 =	vadd.f32 v41, v23;
	v45 =	vld.idx.msk [tilespmem:v5+s10+$0x30 ss:$0x1], $0xffff;
	v22 =	vmul.f32 v22, v20;
	v26 =	vmul.f32 v39, v19  }
0xb8: {  	v46 =	vld.idx.msk [tilespmem:v6+s2+$0x30 ss:$0x1], $0xffff;
	v27 =	vmul.f32 v40, v17;
	v29 =	vmul.f32 v42, v18  }
0xb9: {  	v21 =	vadd.f32 v23, v44;
	v47 =	vld.idx.msk [tilespmem:v7+s16+$0x30 ss:$0x1], $0xffff  }
0xba: {  	v48 =	vld.idx.msk [tilespmem:v8+s20+$0x30 ss:$0x1], $0xffff;
	v22 =	vadd.f32 v26, v22;
	v50 =	vadd.f32 v29, v27  }
0xbb: {  	s8 =	sor.u32 $0x3, s21;
	v21 =	vadd.f32 v21, v43  }
0xbc: {  	s22 =	sshll.u32 s8, $0x7;
	v51 =	vadd.f32 v50, v22  }
0xbd: {  	v63 =	vld.idx.msk [tilespmem:v4+s22+$0x100 ss:$0x1], $0xffff;
	[tilespmem:v4+s19+$0x1A150 ss:$0x1] =	vst.idx.msk $0xffff, v21  }
0xbe: {  	v55 =	vld.idx.msk [tilespmem:v4+s9+$0x4130 ss:$0x1], $0xffff;
	v24 =	vmul.f32 v45, v15;
	v25 =	vmul.f32 v46, v16;
	v21 =	vadd.f32 v51, v49  }
0xbf: {  	v52 =	vld.idx.msk [tilespmem:v5+s0+$0x60 ss:$0x1], $0xffff;
	v23 =	vmul.f32 v47, v13;
	v54 =	vmul.f32 v48, v14  }
0xc0: {  	v53 =	vld.idx.msk [tilespmem:v6+s12+$0x60 ss:$0x1], $0xffff;
	[tilespmem:v4+s7+$0x1A110 ss:$0x1] =	vst.idx.msk $0xffff, v21  }
0xc1: {  	v24 =	vadd.f32 v25, v24;
	v23 =	vadd.f32 v54, v23;
	v21 =	vld.idx.msk [tilespmem:v5+s18+$0x20 ss:$0x1], $0xffff  }
0xc2: {  	v57 =	vld.idx.msk [tilespmem:v6+s13+$0x20 ss:$0x1], $0xffff  }
0xc3: {  	v23 =	vadd.f32 v23, v24;
	v58 =	vld.idx.msk [tilespmem:v7+s14+$0x20 ss:$0x1], $0xffff  }
0xc4: {  	v59 =	vld.idx.msk [tilespmem:v8+s15+$0x20 ss:$0x1], $0xffff  }
0xc5: {  	v56 =	vld.idx.msk [tilespmem:v7+s25+$0x60 ss:$0x1], $0xffff;
	v23 =	vadd.f32 v23, v55  }
0xc6: {  	v60 =	vld.idx.msk [tilespmem:v8+s26+$0x60 ss:$0x1], $0xffff  }
0xc7: {  	v33 =	vld.idx.msk [tilespmem:v4+s7+$0x4120 ss:$0x1], $0xffff;
	[tilespmem:v4+s9+$0x1A130 ss:$0x1] =	vst.idx.msk $0xffff, v23  }
0xc8: {  	v23 =	vld.idx.msk [tilespmem:v5+s10+$0x40 ss:$0x1], $0xffff;
	v21 =	vmul.f32 v21, v20;
	v24 =	vmul.f32 v57, v19  }
0xc9: {  	s11 =	sadd.s32 s28, s8;
	v31 =	vld.idx.msk [tilespmem:v6+s2+$0x40 ss:$0x1], $0xffff;
	v25 =	vmul.f32 v58, v17;
	v27 =	vmul.f32 v59, v18  }
0xca: {  	s23 =	sadd.s32 s31, s8;
	s17 =	sadd.s32 s29, s8;
	s3 =	sshll.u32 s11, $0x7;
	v22 =	vmul.f32 v52, v11;
	v32 =	vld.idx.msk [tilespmem:v7+s16+$0x40 ss:$0x1], $0xffff  }
0xcb: {  	s6 =	rddreg [dreg:$0x19];
	s24 =	sand.u32 $0x3FFFFF80, s3;
	s30 =	sshll.u32 s17, $0x7;
	v26 =	vmul.f32 v53, v12;
	v34 =	vld.idx.msk [tilespmem:v8+s20+$0x40 ss:$0x1], $0xffff;
	v21 =	vadd.f32 v24, v21;
	v62 =	vadd.f32 v27, v25  }
0xcc: {  	s1 =	sadd.s32 s6, s8;
	s3 =	sand.u32 $0x3FFFFF80, s30;
	s8 =	sshll.u32 s23, $0x7;
	v40 =	vld.idx.msk [tilespmem:v5+s24+$0x0 ss:$0x1], $0xffff;
	v41 =	vmul.f32 v56, v9;
	v28 =	vmul.f32 v60, v10  }
0xcd: {  	s4 =	sand.u32 $0x3FFFFF80, s8;
	v42 =	vld.idx.msk [tilespmem:v6+s3+$0x0 ss:$0x1], $0xffff;
	v21 =	vadd.f32 v62, v21  }
0xce: {  	s1 =	sshll.u32 s1, $0x7;
	v43 =	vld.idx.msk [tilespmem:v7+s4+$0x0 ss:$0x1], $0xffff;
	v22 =	vadd.f32 v26, v22;
	v24 =	vadd.f32 v28, v41  }
0xcf: {  	s6 =	sand.u32 $0x3FFFFF80, s1;
	v61 =	vld.idx.msk [tilespmem:v4+s19+$0x4160 ss:$0x1], $0xffff;
	v44 =	vmul.f32 v23, v15;
	v31 =	vmul.f32 v31, v16;
	v21 =	vadd.f32 v21, v33  }
0xd0: {  	v45 =	vld.idx.msk [tilespmem:v8+s6+$0x0 ss:$0x1], $0xffff;
	v32 =	vmul.f32 v32, v13;
	v34 =	vmul.f32 v34, v14  }
0xd1: {  	v35 =	vld.idx.msk [tilespmem:v4+s9+$0x4140 ss:$0x1], $0xffff;
	v36 =	vadd.f32 v24, v22;
	v23 =	vmul.f32 v63, v1;
	[tilespmem:v4+s7+$0x1A120 ss:$0x1] =	vst.idx.msk $0xffff, v21  }
0xd2: {  	v24 =	vmul.f32 v63, v0;
	v28 =	vadd.f32 v31, v44;
	v47 =	vadd.f32 v34, v32;
	v37 =	vld.idx.msk [tilespmem:v5+s18+$0x30 ss:$0x1], $0xffff  }
0xd3: {  	v22 =	vmul.f32 v63, v3;
	v21 =	vmul.f32 v63, v2;
	v46 =	vld.idx.msk [tilespmem:v6+s13+$0x30 ss:$0x1], $0xffff  }
0xd4: {  	v27 =	vmul.f32 v40, v23;
	v29 =	vmul.f32 v42, v24;
	v25 =	vadd.f32 v47, v28;
	v48 =	vld.idx.msk [tilespmem:v7+s14+$0x30 ss:$0x1], $0xffff  }
0xd5: {  	v33 =	vmul.f32 v45, v22;
	v30 =	vadd.f32 v36, v61;
	v49 =	vld.idx.msk [tilespmem:v8+s15+$0x30 ss:$0x1], $0xffff;
	v26 =	vmul.f32 v43, v21  }
0xd6: {  	v50 =	vld.idx.msk [tilespmem:v4+s22+$0x4100 ss:$0x1], $0xffff;
	v51 =	vadd.f32 v25, v35  }
0xd7: {  	v27 =	vadd.f32 v29, v27;
	[tilespmem:v4+s19+$0x1A160 ss:$0x1] =	vst.idx.msk $0xffff, v30;
	v56 =	vld.idx.msk [tilespmem:v4+s7+$0x4130 ss:$0x1], $0xffff;
	v26 =	vadd.f32 v33, v26  }
0xd8: {  	v25 =	vld.idx.msk [tilespmem:v5+s0+$0x70 ss:$0x1], $0xffff;
	[tilespmem:v4+s9+$0x1A140 ss:$0x1] =	vst.idx.msk $0xffff, v51  }
0xd9: {  	v30 =	vld.idx.msk [tilespmem:v5+s10+$0x50 ss:$0x1], $0xffff;
	v26 =	vadd.f32 v26, v27;
	v52 =	vmul.f32 v37, v20;
	v53 =	vmul.f32 v46, v19  }
0xda: {  	v33 =	vld.idx.msk [tilespmem:v6+s2+$0x50 ss:$0x1], $0xffff;
	v54 =	vmul.f32 v48, v17;
	v55 =	vmul.f32 v49, v18  }
0xdb: {  	s0 =	sor.u32 $0x4, s21;
	v61 =	vld.idx.msk [tilespmem:v7+s16+$0x50 ss:$0x1], $0xffff;
	v26 =	vadd.f32 v26, v50  }
0xdc: {  	s1 =	sshll.u32 s0, $0x7;
	v62 =	vld.idx.msk [tilespmem:v8+s20+$0x50 ss:$0x1], $0xffff;
	v27 =	vadd.f32 v53, v52;
	v57 =	vadd.f32 v55, v54  }
0xdd: {  	v46 =	vld.idx.msk [tilespmem:v4+s1+$0x100 ss:$0x1], $0xffff;
	[tilespmem:v4+s22+$0x1A100 ss:$0x1] =	vst.idx.msk $0xffff, v26  }
0xde: {  	v27 =	vadd.f32 v57, v27;
	v26 =	vld.idx.msk [tilespmem:v5+s24+$0x10 ss:$0x1], $0xffff  }
0xdf: {  	s11 =	sadd.s32 s28, s0;
	v58 =	vld.idx.msk [tilespmem:v6+s3+$0x10 ss:$0x1], $0xffff  }
0xe0: {  	s5 =	sshll.u32 s11, $0x7;
	v59 =	vld.idx.msk [tilespmem:v7+s4+$0x10 ss:$0x1], $0xffff;
	v27 =	vadd.f32 v27, v56  }
0xe1: {  	s23 =	sand.u32 $0x3FFFFF80, s5;
	v60 =	vld.idx.msk [tilespmem:v8+s6+$0x10 ss:$0x1], $0xffff  }
0xe2: {  	v39 =	vld.idx.msk [tilespmem:v5+s23+$0x0 ss:$0x1], $0xffff;
	[tilespmem:v4+s7+$0x1A130 ss:$0x1] =	vst.idx.msk $0xffff, v27  }
0xe3: {  	v27 =	vld.idx.msk [tilespmem:v5+s18+$0x40 ss:$0x1], $0xffff  }
0xe4: {  	v63 =	vld.idx.msk [tilespmem:v6+s13+$0x40 ss:$0x1], $0xffff  }
0xe5: {  	s8 =	sadd.s32 s29, s0;
	v44 =	vld.idx.msk [tilespmem:v7+s14+$0x40 ss:$0x1], $0xffff;
	v26 =	vmul.f32 v26, v23;
	v29 =	vmul.f32 v58, v24  }
0xe6: {  	s30 =	rddreg [dreg:$0x19];
	s11 =	sadd.s32 s31, s0;
	s17 =	sshll.u32 s8, $0x7;
	v38 =	vld.idx.msk [tilespmem:v8+s15+$0x40 ss:$0x1], $0xffff;
	v31 =	vmul.f32 v59, v21;
	v28 =	vmul.f32 v60, v22  }
0xe7: {  	s0 =	sadd.s32 s30, s0;
	s8 =	sand.u32 $0x3FFFFF80, s17;
	s11 =	sshll.u32 s11, $0x7;
	v45 =	vld.idx.msk [tilespmem:v4+s22+$0x4110 ss:$0x1], $0xffff  }
0xe8: {  	s0 =	sshll.u32 s0, $0x7;
	v40 =	vld.idx.msk [tilespmem:v6+s8+$0x0 ss:$0x1], $0xffff;
	s11 =	sand.u32 $0x3FFFFF80, s11;
	v26 =	vadd.f32 v29, v26;
	v28 =	vadd.f32 v28, v31  }
0xe9: {  	s17 =	sand.u32 $0x3FFFFF80, s0;
	v48 =	vld.idx.msk [tilespmem:v7+s11+$0x0 ss:$0x1], $0xffff;
	v33 =	vmul.f32 v33, v16  }
0xea: {  	v51 =	vld.idx.msk [tilespmem:v8+s17+$0x0 ss:$0x1], $0xffff;
	v26 =	vadd.f32 v28, v26;
	v27 =	vmul.f32 v27, v20;
	v47 =	vmul.f32 v63, v19  }
0xeb: {  	v57 =	vld.idx.msk [tilespmem:v4+s9+$0x4150 ss:$0x1], $0xffff;
	v49 =	vmul.f32 v44, v17;
	v50 =	vmul.f32 v38, v18  }
0xec: {  	v32 =	vmul.f32 v61, v13;
	v34 =	vmul.f32 v62, v14;
	v52 =	vld.idx.msk [tilespmem:v4+s7+$0x4140 ss:$0x1], $0xffff;
	v26 =	vadd.f32 v26, v45  }
0xed: {  	v56 =	vld.idx.msk [tilespmem:v4+s1+$0x4100 ss:$0x1], $0xffff;
	v29 =	vmul.f32 v46, v0;
	v41 =	vadd.f32 v47, v27;
	v36 =	vadd.f32 v50, v49  }
0xee: {  	v28 =	vmul.f32 v46, v1;
	v44 =	vmul.f32 v30, v15;
	v30 =	vld.idx.msk [tilespmem:v6+s12+$0x70 ss:$0x1], $0xffff;
	[tilespmem:v4+s22+$0x1A110 ss:$0x1] =	vst.idx.msk $0xffff, v26  }
0xef: {  	v27 =	vmul.f32 v46, v3;
	v26 =	vmul.f32 v46, v2;
	v53 =	vadd.f32 v36, v41;
	v42 =	vld.idx.msk [tilespmem:v5+s24+$0x20 ss:$0x1], $0xffff  }
0xf0: {  	v40 =	vmul.f32 v40, v29;
	v39 =	vmul.f32 v39, v28;
	v43 =	vld.idx.msk [tilespmem:v6+s3+$0x20 ss:$0x1], $0xffff  }
0xf1: {  	v37 =	vmul.f32 v51, v27;
	v54 =	vld.idx.msk [tilespmem:v7+s4+$0x20 ss:$0x1], $0xffff;
	v35 =	vmul.f32 v48, v26;
	v31 =	vadd.f32 v53, v52  }
0xf2: {  	v32 =	vadd.f32 v34, v32;
	v58 =	vadd.f32 v33, v44;
	v55 =	vld.idx.msk [tilespmem:v8+s6+$0x20 ss:$0x1], $0xffff  }
0xf3: {  	v39 =	vadd.f32 v40, v39;
	v44 =	vld.idx.msk [tilespmem:v4+s22+$0x4120 ss:$0x1], $0xffff;
	v35 =	vadd.f32 v37, v35;
	[tilespmem:v4+s7+$0x1A140 ss:$0x1] =	vst.idx.msk $0xffff, v31  }
0xf4: {  	v31 =	vadd.f32 v32, v58;
	v59 =	vld.idx.msk [tilespmem:v5+s18+$0x50 ss:$0x1], $0xffff  }
0xf5: {  	v60 =	vld.idx.msk [tilespmem:v6+s13+$0x50 ss:$0x1], $0xffff;
	v35 =	vadd.f32 v35, v39  }
0xf6: {  	v63 =	vld.idx.msk [tilespmem:v7+s14+$0x50 ss:$0x1], $0xffff;
	v61 =	vmul.f32 v42, v23;
	v62 =	vmul.f32 v43, v24;
	v31 =	vadd.f32 v31, v57  }
0xf7: {  	v45 =	vld.idx.msk [tilespmem:v8+s15+$0x50 ss:$0x1], $0xffff;
	v36 =	vmul.f32 v54, v21;
	v41 =	vmul.f32 v55, v22  }
0xf8: {  	v51 =	vld.idx.msk [tilespmem:v4+s7+$0x4150 ss:$0x1], $0xffff;
	v35 =	vadd.f32 v35, v56;
	[tilespmem:v4+s9+$0x1A150 ss:$0x1] =	vst.idx.msk $0xffff, v31  }
0xf9: {  	v39 =	vadd.f32 v62, v61;
	v36 =	vadd.f32 v41, v36;
	v61 =	vld.idx.msk [tilespmem:v8+s20+$0x60 ss:$0x1], $0xffff  }
0xfa: {  	v62 =	vld.idx.msk [tilespmem:v4+s9+$0x4160 ss:$0x1], $0xffff;
	[tilespmem:v4+s1+$0x1A100 ss:$0x1] =	vst.idx.msk $0xffff, v35  }
0xfb: {  	v36 =	vadd.f32 v36, v39;
	v35 =	vld.idx.msk [tilespmem:v5+s23+$0x10 ss:$0x1], $0xffff  }
0xfc: {  	v46 =	vld.idx.msk [tilespmem:v6+s8+$0x10 ss:$0x1], $0xffff  }
0xfd: {  	v33 =	vmul.f32 v59, v20;
	v34 =	vmul.f32 v60, v19;
	v47 =	vld.idx.msk [tilespmem:v7+s11+$0x10 ss:$0x1], $0xffff;
	v48 =	vadd.f32 v36, v44  }
0xfe: {  	v50 =	vmul.f32 v63, v17;
	v38 =	vmul.f32 v45, v18;
	v49 =	vld.idx.msk [tilespmem:v8+s17+$0x10 ss:$0x1], $0xffff  }
0xff: {  	v59 =	vld.idx.msk [tilespmem:v6+s2+$0x60 ss:$0x1], $0xffff;
	[tilespmem:v4+s22+$0x1A120 ss:$0x1] =	vst.idx.msk $0xffff, v48  }
0x100: {  	v52 =	vadd.f32 v34, v33;
	v54 =	vadd.f32 v38, v50;
	v53 =	vld.idx.msk [tilespmem:v5+s24+$0x30 ss:$0x1], $0xffff  }
0x101: {  	v55 =	vld.idx.msk [tilespmem:v6+s3+$0x30 ss:$0x1], $0xffff  }
0x102: {  	v31 =	vadd.f32 v54, v52;
	v56 =	vld.idx.msk [tilespmem:v7+s4+$0x30 ss:$0x1], $0xffff;
	v35 =	vmul.f32 v35, v28;
	v37 =	vmul.f32 v46, v29  }
0x103: {  	v58 =	vld.idx.msk [tilespmem:v8+s6+$0x30 ss:$0x1], $0xffff;
	v39 =	vmul.f32 v47, v26;
	v32 =	vmul.f32 v49, v27  }
0x104: {  	v57 =	vld.idx.msk [tilespmem:v4+s1+$0x4110 ss:$0x1], $0xffff;
	v31 =	vadd.f32 v31, v51  }
0x105: {  	v60 =	vld.idx.msk [tilespmem:v7+s16+$0x60 ss:$0x1], $0xffff;
	v35 =	vadd.f32 v37, v35;
	v32 =	vadd.f32 v32, v39  }
0x106: {  	v36 =	vld.idx.msk [tilespmem:v5+s10+$0x60 ss:$0x1], $0xffff;
	[tilespmem:v4+s7+$0x1A150 ss:$0x1] =	vst.idx.msk $0xffff, v31  }
0x107: {  	v45 =	vld.idx.msk [tilespmem:v4+s22+$0x4130 ss:$0x1], $0xffff;
	v32 =	vadd.f32 v32, v35;
	v33 =	vmul.f32 v53, v23;
	v38 =	vmul.f32 v55, v24  }
0x108: {  	v34 =	vld.idx.msk [tilespmem:v5+s18+$0x60 ss:$0x1], $0xffff;
	v40 =	vmul.f32 v56, v21;
	v63 =	vmul.f32 v58, v22  }
0x109: {  	v52 =	vld.idx.msk [tilespmem:v6+s13+$0x60 ss:$0x1], $0xffff;
	v32 =	vadd.f32 v32, v57  }
0x10a: {  	v54 =	vld.idx.msk [tilespmem:v8+s15+$0x60 ss:$0x1], $0xffff;
	v46 =	vadd.f32 v38, v33;
	v47 =	vadd.f32 v63, v40  }
0x10b: {  	v53 =	vld.idx.msk [tilespmem:v7+s14+$0x60 ss:$0x1], $0xffff;
	[tilespmem:v4+s1+$0x1A110 ss:$0x1] =	vst.idx.msk $0xffff, v32  }
0x10c: {  	v36 =	vmul.f32 v36, v15;
	v37 =	vmul.f32 v59, v16;
	v32 =	vadd.f32 v47, v46;
	v48 =	vld.idx.msk [tilespmem:v5+s23+$0x20 ss:$0x1], $0xffff  }
0x10d: {  	v39 =	vmul.f32 v60, v13;
	v35 =	vmul.f32 v61, v14;
	v49 =	vld.idx.msk [tilespmem:v6+s8+$0x20 ss:$0x1], $0xffff  }
0x10e: {  	v50 =	vld.idx.msk [tilespmem:v7+s11+$0x20 ss:$0x1], $0xffff;
	v32 =	vadd.f32 v32, v45  }
0x10f: {  	v36 =	vadd.f32 v37, v36;
	v55 =	vadd.f32 v35, v39;
	v51 =	vld.idx.msk [tilespmem:v8+s17+$0x20 ss:$0x1], $0xffff  }
0x110: {  	v34 =	vmul.f32 v34, v20;
	v63 =	vmul.f32 v52, v19;
	v59 =	vld.idx.msk [tilespmem:v4+s1+$0x4120 ss:$0x1], $0xffff;
	[tilespmem:v4+s22+$0x1A130 ss:$0x1] =	vst.idx.msk $0xffff, v32  }
0x111: {  	v32 =	vadd.f32 v55, v36;
	v56 =	vld.idx.msk [tilespmem:v5+s24+$0x40 ss:$0x1], $0xffff  }
0x112: {  	v37 =	vmul.f32 v54, v18;
	v42 =	vmul.f32 v53, v17;
	v34 =	vadd.f32 v63, v34;
	v58 =	vld.idx.msk [tilespmem:v6+s3+$0x40 ss:$0x1], $0xffff  }
0x113: {  	v38 =	vmul.f32 v48, v28;
	v57 =	vmul.f32 v49, v29;
	v61 =	vadd.f32 v32, v62;
	v48 =	vld.idx.msk [tilespmem:v4+s7+$0x4160 ss:$0x1], $0xffff  }
0x114: {  	v60 =	vld.idx.msk [tilespmem:v7+s4+$0x40 ss:$0x1], $0xffff;
	v33 =	vmul.f32 v50, v26;
	v41 =	vmul.f32 v51, v27;
	v51 =	vadd.f32 v37, v42  }
0x115: {  	v62 =	vld.idx.msk [tilespmem:v8+s6+$0x40 ss:$0x1], $0xffff;
	v38 =	vadd.f32 v57, v38;
	[tilespmem:v4+s9+$0x1A160 ss:$0x1] =	vst.idx.msk $0xffff, v61  }
0x116: {  	[tilespmem:$0x1FFA0] =	vst v9;
	v33 =	vadd.f32 v41, v33;
	v34 =	vadd.f32 v51, v34;
	v9 =	vld.idx.msk [tilespmem:v5+s10+$0x70 ss:$0x1], $0xffff  }
0x117: {  	v31 =	vld.idx.msk [tilespmem:v7+s25+$0x70 ss:$0x1], $0xffff  }
0x118: {  	v32 =	vld.idx.msk [tilespmem:v8+s26+$0x70 ss:$0x1], $0xffff;
	v38 =	vadd.f32 v33, v38;
	v34 =	vadd.f32 v34, v48  }
0x119: {  	v50 =	vld.idx.msk [tilespmem:v4+s22+$0x4140 ss:$0x1], $0xffff;
	v35 =	vmul.f32 v56, v23  }
0x11a: {  	v39 =	vld.idx.msk [tilespmem:v6+s2+$0x70 ss:$0x1], $0xffff;
	v40 =	vmul.f32 v58, v24;
	v36 =	vadd.f32 v38, v59;
	[tilespmem:v4+s7+$0x1A160 ss:$0x1] =	vst.idx.msk $0xffff, v34  }
0x11b: {  	v49 =	vmul.f32 v60, v21;
	v33 =	vld.idx.msk [tilespmem:v8+s20+$0x70 ss:$0x1], $0xffff;
	v41 =	vmul.f32 v62, v22;
	[tilespmem:$0x1FFC0] =	vst v9  }
0x11c: {  	[tilespmem:v4+s1+$0x1A120 ss:$0x1] =	vst.idx.msk $0xffff, v36;
	v9 =	vld.idx.msk [tilespmem:v5+s18+$0x70 ss:$0x1], $0xffff  }
0x11d: {  	v35 =	vadd.f32 v40, v35;
	v53 =	vadd.f32 v41, v49;
	v52 =	vld.idx.msk [tilespmem:v5+s23+$0x30 ss:$0x1], $0xffff  }
0x11e: {  	v54 =	vld.idx.msk [tilespmem:v6+s8+$0x30 ss:$0x1], $0xffff  }
0x11f: {  	v55 =	vld.idx.msk [tilespmem:v7+s11+$0x30 ss:$0x1], $0xffff;
	v37 =	vadd.f32 v53, v35  }
0x120: {  	v56 =	vld.idx.msk [tilespmem:v8+s17+$0x30 ss:$0x1], $0xffff  }
0x121: {  	v35 =	vld.idx.msk [tilespmem:v7+s16+$0x70 ss:$0x1], $0xffff;
	v57 =	vadd.f32 v37, v50  }
0x122: {  	v60 =	vld.idx.msk [tilespmem:v4+s1+$0x4130 ss:$0x1], $0xffff;
	[tilespmem:$0x1FFD0] =	vst v9  }
0x123: {  	[tilespmem:v4+s22+$0x1A140 ss:$0x1] =	vst.idx.msk $0xffff, v57;
	v9 =	vld.idx.msk [tilespmem:v7+s14+$0x70 ss:$0x1], $0xffff  }
0x124: {  	v62 =	vld.idx.msk [tilespmem:v7+s4+$0x50 ss:$0x1], $0xffff  }
0x125: {  	v45 =	vld.idx.msk [tilespmem:v8+s6+$0x50 ss:$0x1], $0xffff  }
0x126: {  	v59 =	vld.idx.msk [tilespmem:v5+s24+$0x50 ss:$0x1], $0xffff  }
0x127: {  	v58 =	vmul.f32 v52, v28;
	v40 =	vmul.f32 v54, v29;
	v61 =	vld.idx.msk [tilespmem:v6+s3+$0x50 ss:$0x1], $0xffff  }
0x128: {  	v36 =	vmul.f32 v55, v26;
	v41 =	vmul.f32 v56, v27;
	v46 =	vld.idx.msk [tilespmem:v4+s22+$0x4150 ss:$0x1], $0xffff  }
0x129: {  	v38 =	vadd.f32 v40, v58;
	[tilespmem:$0x1FFE0] =	vst v9;
	v9 =	vld.idx.msk [tilespmem:v8+s15+$0x70 ss:$0x1], $0xffff;
	s15 =	sor.u32 $0x5, s21  }
0x12a: {  	v36 =	vadd.f32 v41, v36;
	v40 =	vld.idx.msk [tilespmem:v6+s13+$0x70 ss:$0x1], $0xffff;
	v41 =	vmul.f32 v62, v21;
	v63 =	vmul.f32 v45, v22;
	s18 =	sadd.s32 s28, s15;
	s25 =	sshll.u32 s15, $0x7  }
0x12b: {  	s12 =	rddreg [dreg:$0x19];
	s20 =	sadd.s32 s29, s15;
	s2 =	sshll.u32 s18, $0x7;
	v48 =	vld.idx.msk [tilespmem:v4+s25+$0x100 ss:$0x1], $0xffff  }
0x12c: {  	v38 =	vadd.f32 v36, v38;
	s26 =	sadd.s32 s31, s15;
	s30 =	sshll.u32 s20, $0x7;
	v41 =	vadd.f32 v63, v41;
	s16 =	sand.u32 $0x3FFFFF80, s2;
	v63 =	vld.idx.msk [tilespmem:v4+s25+$0x4100 ss:$0x1], $0xffff  }
0x12d: {  	v42 =	vmul.f32 v59, v23;
	v44 =	vmul.f32 v61, v24;
	s0 =	sadd.s32 s12, s15;
	s13 =	sshll.u32 s26, $0x7;
	s20 =	sand.u32 $0x3FFFFF80, s30;
	v49 =	vld.idx.msk [tilespmem:v5+s16+$0x0 ss:$0x1], $0xffff  }
0x12e: {  	v43 =	vadd.f32 v38, v60;
	s0 =	sshll.u32 s0, $0x7;
	s13 =	sand.u32 $0x3FFFFF80, s13;
	v38 =	vld.idx.msk [tilespmem:v6+s20+$0x0 ss:$0x1], $0xffff  }
0x12f: {  	v42 =	vadd.f32 v44, v42;
	s10 =	sand.u32 $0x3FFFFF80, s0;
	v50 =	vld.idx.msk [tilespmem:v7+s13+$0x0 ss:$0x1], $0xffff  }
0x130: {  	[tilespmem:v4+s1+$0x1A130 ss:$0x1] =	vst.idx.msk $0xffff, v43;
	v51 =	vld.idx.msk [tilespmem:v8+s10+$0x0 ss:$0x1], $0xffff  }
0x131: {  	s14 =	sor.u32 $0x6, s21;
	v34 =	vld.idx.msk [tilespmem:v5+s23+$0x40 ss:$0x1], $0xffff;
	v41 =	vadd.f32 v41, v42  }
0x132: {  	s15 =	sadd.s32 s28, s14;
	s18 =	sadd.s32 s29, s14;
	v47 =	vld.idx.msk [tilespmem:v6+s8+$0x40 ss:$0x1], $0xffff  }
0x133: {  	s2 =	sshll.u32 s15, $0x7;
	s15 =	sshll.u32 s18, $0x7;
	s18 =	rddreg [dreg:$0x19];
	v19 =	vmul.f32 v40, v19;
	v36 =	vld.idx.msk [tilespmem:v7+s11+$0x40 ss:$0x1], $0xffff;
	v41 =	vadd.f32 v41, v46  }
0x134: {  	s0 =	sadd.s32 s18, s14;
	v37 =	vld.idx.msk [tilespmem:v8+s17+$0x40 ss:$0x1], $0xffff;
	v42 =	vmul.f32 v48, v0;
	v43 =	vmul.f32 v48, v2  }
0x135: {  	v40 =	vld [tilespmem:$0x1FFE0];
	s0 =	sshll.u32 s0, $0x7;
	v44 =	vmul.f32 v48, v3;
	[tilespmem:v4+s22+$0x1A150 ss:$0x1] =	vst.idx.msk $0xffff, v41;
	v41 =	vmul.f32 v48, v1  }
0x136: {  	s18 =	sand.u32 $0x3FFFFF80, s15;
	v61 =	vld.idx.msk [tilespmem:v4+s1+$0x4140 ss:$0x1], $0xffff;
	s15 =	sand.u32 $0x3FFFFF80, s0;
	v46 =	vmul.f32 v38, v42;
	v50 =	vmul.f32 v50, v43  }
0x137: {  	s26 =	sshll.u32 s14, $0x7;
	v59 =	vld.idx.msk [tilespmem:v8+s15+$0x0 ss:$0x1], $0xffff;
	v51 =	vmul.f32 v51, v44;
	v45 =	vmul.f32 v34, v28  }
0x138: {  	v38 =	vld.idx.msk [tilespmem:v4+s26+$0x100 ss:$0x1], $0xffff;
	v47 =	vmul.f32 v47, v29;
	v60 =	vmul.f32 v49, v41  }
0x139: {  	v56 =	vld.idx.msk [tilespmem:v5+s24+$0x60 ss:$0x1], $0xffff;
	v52 =	vmul.f32 v36, v26;
	v53 =	vmul.f32 v37, v27  }
0x13a: {  	v57 =	vld.idx.msk [tilespmem:v6+s3+$0x60 ss:$0x1], $0xffff;
	v37 =	vadd.f32 v51, v50;
	v46 =	vadd.f32 v46, v60  }
0x13b: {  	v54 =	vld.idx.msk [tilespmem:v7+s4+$0x60 ss:$0x1], $0xffff;
	v45 =	vadd.f32 v47, v45;
	v62 =	vadd.f32 v53, v52  }
0x13c: {  	s30 =	sadd.s32 s31, s14;
	s12 =	sand.u32 $0x3FFFFF80, s2;
	v55 =	vld.idx.msk [tilespmem:v8+s6+$0x60 ss:$0x1], $0xffff;
	v46 =	vadd.f32 v37, v46  }
0x13d: {  	s30 =	sshll.u32 s30, $0x7;
	v34 =	vld.idx.msk [tilespmem:v5+s12+$0x0 ss:$0x1], $0xffff;
	v45 =	vadd.f32 v62, v45  }
0x13e: {  	s14 =	sand.u32 $0x3FFFFF80, s30;
	v36 =	vld.idx.msk [tilespmem:v6+s18+$0x0 ss:$0x1], $0xffff;
	v46 =	vadd.f32 v46, v63  }
0x13f: {  	v37 =	vld.idx.msk [tilespmem:v7+s14+$0x0 ss:$0x1], $0xffff;
	v45 =	vadd.f32 v45, v61  }
0x140: {  	v53 =	vld.idx.msk [tilespmem:v4+s22+$0x4160 ss:$0x1], $0xffff;
	[tilespmem:v4+s25+$0x1A100 ss:$0x1] =	vst.idx.msk $0xffff, v46  }
0x141: {  	v48 =	vmul.f32 v38, v3;
	[tilespmem:v4+s1+$0x1A140 ss:$0x1] =	vst.idx.msk $0xffff, v45;
	v45 =	vmul.f32 v38, v1;
	v60 =	vld.idx.msk [tilespmem:v5+s16+$0x10 ss:$0x1], $0xffff  }
0x142: {  	v47 =	vmul.f32 v38, v2;
	v46 =	vmul.f32 v38, v0;
	v61 =	vld.idx.msk [tilespmem:v6+s20+$0x10 ss:$0x1], $0xffff  }
0x143: {  	v59 =	vmul.f32 v59, v48;
	v50 =	vld.idx.msk [tilespmem:v7+s13+$0x10 ss:$0x1], $0xffff;
	v51 =	vmul.f32 v34, v45  }
0x144: {  	v62 =	vld.idx.msk [tilespmem:v8+s10+$0x10 ss:$0x1], $0xffff;
	v52 =	vmul.f32 v37, v47;
	v49 =	vmul.f32 v36, v46  }
0x145: {  	s5 =	sor.u32 $0x7, s21;
	v63 =	vld.idx.msk [tilespmem:v4+s26+$0x4100 ss:$0x1], $0xffff  }
0x146: {  	s2 =	sadd.s32 s28, s5;
	s28 =	sadd.s32 s29, s5;
	s29 =	sadd.s32 s31, s5;
	v58 =	vld.idx.msk [tilespmem:v5+s23+$0x50 ss:$0x1], $0xffff;
	v38 =	vadd.f32 v59, v52;
	v49 =	vadd.f32 v49, v51  }
0x147: {  	s30 =	rddreg [dreg:$0x19];
	s0 =	sshll.u32 s2, $0x7;
	s2 =	sshll.u32 s5, $0x7;
	v36 =	vmov v0;
	v0 =	vld.idx.msk [tilespmem:v4+s25+$0x4110 ss:$0x1], $0xffff  }
0x148: {  	s28 =	sshll.u32 s28, $0x7;
	s30 =	sadd.s32 s30, s5;
	s0 =	sand.u32 $0x3FFFFF80, s0;
	v59 =	vld.idx.msk [tilespmem:v4+s2+$0x100 ss:$0x1], $0xffff;
	v52 =	vmul.f32 v60, v41;
	v34 =	vmul.f32 v61, v42;
	v49 =	vadd.f32 v38, v49  }
0x149: {  	s5 =	sand.u32 $0x3FFFFF80, s28;
	s28 =	sshll.u32 s29, $0x7;
	s29 =	sshll.u32 s30, $0x7;
	v61 =	vld.idx.msk [tilespmem:v5+s0+$0x0 ss:$0x1], $0xffff;
	v50 =	vmul.f32 v50, v43;
	v37 =	vmul.f32 v62, v44  }
0x14a: {  	s29 =	sand.u32 $0x3FFFFF80, s29;
	v38 =	vld.idx.msk [tilespmem:v6+s5+$0x0 ss:$0x1], $0xffff;
	v49 =	vadd.f32 v49, v63  }
0x14b: {  	s28 =	sand.u32 $0x3FFFFF80, s28;
	v60 =	vld.idx.msk [tilespmem:v8+s29+$0x0 ss:$0x1], $0xffff;
	v52 =	vadd.f32 v34, v52;
	v50 =	vadd.f32 v37, v50  }
0x14c: {  	v63 =	vld.idx.msk [tilespmem:v7+s28+$0x0 ss:$0x1], $0xffff;
	[tilespmem:v4+s26+$0x1A100 ss:$0x1] =	vst.idx.msk $0xffff, v49  }
0x14d: {  	[tilespmem:$0x1FFF0] =	vst v9;
	v34 =	vmov v2;
	v2 =	vadd.f32 v50, v52;
	v9 =	vld.idx.msk [tilespmem:v5+s12+$0x10 ss:$0x1], $0xffff  }
0x14e: {  	v51 =	vmul.f32 v59, v1;
	v52 =	vmul.f32 v59, v36;
	v50 =	vld.idx.msk [tilespmem:v6+s18+$0x10 ss:$0x1], $0xffff  }
0x14f: {  	v49 =	vmul.f32 v59, v34;
	v59 =	vmul.f32 v59, v3;
	v0 =	vadd.f32 v2, v0;
	v2 =	vld.idx.msk [tilespmem:v7+s14+$0x10 ss:$0x1], $0xffff  }
0x150: {  	v61 =	vmul.f32 v61, v51;
	v62 =	vmul.f32 v38, v52;
	v38 =	vmov v1;
	v1 =	vld.idx.msk [tilespmem:v8+s15+$0x10 ss:$0x1], $0xffff  }
0x151: {  	v37 =	vmov v3;
	v3 =	vld.idx.msk [tilespmem:v4+s26+$0x4110 ss:$0x1], $0xffff;
	v63 =	vmul.f32 v63, v49;
	v60 =	vmul.f32 v60, v59  }
0x152: {  	[tilespmem:v4+s25+$0x1A110 ss:$0x1] =	vst.idx.msk $0xffff, v0;
	v0 =	vld.idx.msk [tilespmem:v4+s2+$0x4100 ss:$0x1], $0xffff  }
0x153: {  	[tilespmem:$0x1FFB0] =	vst v10;
	v61 =	vadd.f32 v62, v61;
	v10 =	vld.idx.msk [tilespmem:v5+s16+$0x20 ss:$0x1], $0xffff;
	v60 =	vadd.f32 v60, v63  }
0x154: {  	v62 =	vld.idx.msk [tilespmem:v6+s20+$0x20 ss:$0x1], $0xffff;
	v9 =	vmul.f32 v9, v45;
	v50 =	vmul.f32 v50, v46  }
0x155: {  	v63 =	vld.idx.msk [tilespmem:v7+s13+$0x20 ss:$0x1], $0xffff;
	v60 =	vadd.f32 v60, v61;
	v2 =	vmul.f32 v2, v47;
	v1 =	vmul.f32 v1, v48  }
0x156: {  	v61 =	vld.idx.msk [tilespmem:v8+s10+$0x20 ss:$0x1], $0xffff;
	v9 =	vadd.f32 v50, v9  }
0x157: {  	[tilespmem:$0x1FF90] =	vst v11;
	v11 =	vld.idx.msk [tilespmem:v6+s8+$0x50 ss:$0x1], $0xffff;
	v0 =	vadd.f32 v60, v0;
	v1 =	vadd.f32 v1, v2  }
0x158: {  	v60 =	vld.idx.msk [tilespmem:v7+s11+$0x50 ss:$0x1], $0xffff  }
0x159: {  	v2 =	vld.idx.msk [tilespmem:v4+s25+$0x4120 ss:$0x1], $0xffff;
	[tilespmem:v4+s2+$0x1A100 ss:$0x1] =	vst.idx.msk $0xffff, v0;
	v1 =	vadd.f32 v1, v9  }
0x15a: {  	v50 =	vmul.f32 v63, v43;
	v0 =	vmul.f32 v10, v41;
	v9 =	vld.idx.msk [tilespmem:v5+s0+$0x10 ss:$0x1], $0xffff  }
0x15b: {  	v10 =	vmul.f32 v62, v42;
	v61 =	vmul.f32 v61, v44;
	v62 =	vld.idx.msk [tilespmem:v6+s5+$0x10 ss:$0x1], $0xffff;
	v1 =	vadd.f32 v1, v3  }
0x15c: {  	v3 =	vld.idx.msk [tilespmem:v7+s28+$0x10 ss:$0x1], $0xffff  }
0x15d: {  	v0 =	vadd.f32 v10, v0;
	v10 =	vadd.f32 v61, v50;
	v50 =	vld.idx.msk [tilespmem:v8+s29+$0x10 ss:$0x1], $0xffff;
	[tilespmem:v4+s26+$0x1A110 ss:$0x1] =	vst.idx.msk $0xffff, v1  }
0x15e: {  	v54 =	vmul.f32 v54, v21;
	v55 =	vmul.f32 v55, v22;
	v1 =	vld.idx.msk [tilespmem:v5+s12+$0x20 ss:$0x1], $0xffff  }
0x15f: {  	v0 =	vadd.f32 v10, v0;
	v10 =	vmul.f32 v56, v23;
	v56 =	vmul.f32 v57, v24;
	v57 =	vld.idx.msk [tilespmem:v6+s18+$0x20 ss:$0x1], $0xffff  }
0x160: {  	v54 =	vadd.f32 v55, v54;
	v63 =	vld.idx.msk [tilespmem:v8+s15+$0x20 ss:$0x1], $0xffff  }
0x161: {  	v9 =	vmul.f32 v9, v51;
	v62 =	vmul.f32 v62, v52;
	v0 =	vadd.f32 v0, v2;
	v2 =	vld.idx.msk [tilespmem:v7+s14+$0x20 ss:$0x1], $0xffff  }
0x162: {  	v61 =	vld.idx.msk [tilespmem:v8+s17+$0x50 ss:$0x1], $0xffff;
	v3 =	vmul.f32 v3, v49;
	v10 =	vadd.f32 v56, v10;
	v50 =	vmul.f32 v50, v59  }
0x163: {  	v9 =	vadd.f32 v62, v9;
	[tilespmem:v4+s25+$0x1A120 ss:$0x1] =	vst.idx.msk $0xffff, v0;
	v0 =	vld.idx.msk [tilespmem:v4+s2+$0x4110 ss:$0x1], $0xffff  }
0x164: {  	v10 =	vadd.f32 v54, v10;
	v54 =	vld.idx.msk [tilespmem:v4+s26+$0x4120 ss:$0x1], $0xffff;
	v3 =	vadd.f32 v50, v3  }
0x165: {  	v50 =	vld.idx.msk [tilespmem:v5+s16+$0x30 ss:$0x1], $0xffff;
	v1 =	vmul.f32 v1, v45;
	v57 =	vmul.f32 v57, v46  }
0x166: {  	v55 =	vld.idx.msk [tilespmem:v6+s20+$0x30 ss:$0x1], $0xffff;
	v62 =	vmul.f32 v63, v48;
	v3 =	vadd.f32 v3, v9;
	v2 =	vmul.f32 v2, v47  }
0x167: {  	v56 =	vld.idx.msk [tilespmem:v7+s13+$0x30 ss:$0x1], $0xffff;
	v1 =	vadd.f32 v57, v1  }
0x168: {  	v9 =	vld.idx.msk [tilespmem:v8+s10+$0x30 ss:$0x1], $0xffff;
	v0 =	vadd.f32 v3, v0;
	v2 =	vadd.f32 v62, v2  }
0x169: {  	v10 =	vadd.f32 v10, v53;
	v57 =	vmul.f32 v58, v28;
	v58 =	vld.idx.msk [tilespmem:v4+s25+$0x4130 ss:$0x1], $0xffff  }
0x16a: {  	v11 =	vmul.f32 v11, v29;
	v3 =	vld.idx.msk [tilespmem:v4+s1+$0x4150 ss:$0x1], $0xffff;
	[tilespmem:v4+s2+$0x1A110 ss:$0x1] =	vst.idx.msk $0xffff, v0;
	v1 =	vadd.f32 v2, v1  }
0x16b: {  	[tilespmem:v4+s22+$0x1A160 ss:$0x1] =	vst.idx.msk $0xffff, v10;
	v50 =	vmul.f32 v50, v41;
	v55 =	vmul.f32 v55, v42;
	v2 =	vld.idx.msk [tilespmem:v5+s0+$0x20 ss:$0x1], $0xffff  }
0x16c: {  	v0 =	vmul.f32 v60, v26;
	v60 =	vmul.f32 v61, v27;
	v61 =	vld.idx.msk [tilespmem:v6+s5+$0x20 ss:$0x1], $0xffff;
	v1 =	vadd.f32 v1, v54  }
0x16d: {  	v10 =	vadd.f32 v11, v57;
	v56 =	vmul.f32 v56, v43;
	v9 =	vmul.f32 v9, v44;
	v11 =	vld.idx.msk [tilespmem:v8+s29+$0x20 ss:$0x1], $0xffff  }
0x16e: {  	v54 =	vld.idx.msk [tilespmem:v7+s28+$0x20 ss:$0x1], $0xffff;
	v0 =	vadd.f32 v60, v0;
	[tilespmem:v4+s26+$0x1A120 ss:$0x1] =	vst.idx.msk $0xffff, v1  }
0x16f: {  	v50 =	vadd.f32 v55, v50;
	v9 =	vadd.f32 v9, v56;
	v1 =	vld.idx.msk [tilespmem:v5+s12+$0x30 ss:$0x1], $0xffff  }
0x170: {  	v0 =	vadd.f32 v0, v10;
	v10 =	vld.idx.msk [tilespmem:v6+s18+$0x30 ss:$0x1], $0xffff  }
0x171: {  	v9 =	vadd.f32 v9, v50;
	v63 =	vld.idx.msk [tilespmem:v8+s15+$0x30 ss:$0x1], $0xffff  }
0x172: {  	v0 =	vadd.f32 v0, v3;
	v3 =	vld.idx.msk [tilespmem:v7+s14+$0x30 ss:$0x1], $0xffff;
	v2 =	vmul.f32 v2, v51;
	v62 =	vmul.f32 v61, v52  }
0x173: {  	v11 =	vmul.f32 v11, v59;
	v61 =	vld.idx.msk [tilespmem:v4+s26+$0x4130 ss:$0x1], $0xffff;
	v9 =	vadd.f32 v9, v58;
	v54 =	vmul.f32 v54, v49  }
0x174: {  	[tilespmem:v4+s1+$0x1A150 ss:$0x1] =	vst.idx.msk $0xffff, v0;
	v0 =	vld.idx.msk [tilespmem:v4+s2+$0x4120 ss:$0x1], $0xffff  }
0x175: {  	v2 =	vadd.f32 v62, v2;
	v56 =	vld.idx.msk [tilespmem:v5+s23+$0x60 ss:$0x1], $0xffff;
	[tilespmem:v4+s25+$0x1A130 ss:$0x1] =	vst.idx.msk $0xffff, v9;
	v9 =	vadd.f32 v11, v54  }
0x176: {  	v11 =	vld.idx.msk [tilespmem:v5+s16+$0x40 ss:$0x1], $0xffff  }
0x177: {  	v58 =	vld.idx.msk [tilespmem:v6+s20+$0x40 ss:$0x1], $0xffff;
	v1 =	vmul.f32 v1, v45;
	v10 =	vmul.f32 v10, v46;
	v2 =	vadd.f32 v9, v2  }
0x178: {  	v60 =	vmul.f32 v63, v48;
	v9 =	vld.idx.msk [tilespmem:v7+s13+$0x40 ss:$0x1], $0xffff;
	v3 =	vmul.f32 v3, v47  }
0x179: {  	v1 =	vadd.f32 v10, v1;
	v10 =	vld.idx.msk [tilespmem:v6+s8+$0x60 ss:$0x1], $0xffff;
	v0 =	vadd.f32 v2, v0  }
0x17a: {  	v2 =	vld.idx.msk [tilespmem:v8+s10+$0x40 ss:$0x1], $0xffff;
	v3 =	vadd.f32 v60, v3  }
0x17b: {  	v60 =	vld.idx.msk [tilespmem:v4+s25+$0x4140 ss:$0x1], $0xffff;
	[tilespmem:v4+s2+$0x1A120 ss:$0x1] =	vst.idx.msk $0xffff, v0  }
0x17c: {  	v0 =	vadd.f32 v3, v1;
	v1 =	vld.idx.msk [tilespmem:v5+s0+$0x30 ss:$0x1], $0xffff  }
0x17d: {  	v3 =	vld.idx.msk [tilespmem:v6+s5+$0x30 ss:$0x1], $0xffff  }
0x17e: {  	v11 =	vmul.f32 v11, v41;
	v50 =	vmul.f32 v58, v42;
	v62 =	vld.idx.msk [tilespmem:v7+s28+$0x30 ss:$0x1], $0xffff;
	v0 =	vadd.f32 v0, v61  }
0x17f: {  	v9 =	vmul.f32 v9, v43;
	v63 =	vld.idx.msk [tilespmem:v8+s29+$0x30 ss:$0x1], $0xffff;
	v2 =	vmul.f32 v2, v44  }
0x180: {  	v58 =	vld.idx.msk [tilespmem:v7+s11+$0x60 ss:$0x1], $0xffff;
	[tilespmem:v4+s26+$0x1A130 ss:$0x1] =	vst.idx.msk $0xffff, v0  }
0x181: {  	v0 =	vadd.f32 v50, v11;
	v2 =	vadd.f32 v2, v9;
	v9 =	vld.idx.msk [tilespmem:v5+s12+$0x40 ss:$0x1], $0xffff  }
0x182: {  	v11 =	vld.idx.msk [tilespmem:v6+s18+$0x40 ss:$0x1], $0xffff  }
0x183: {  	v61 =	vld.idx.msk [tilespmem:v8+s15+$0x40 ss:$0x1], $0xffff;
	v1 =	vmul.f32 v1, v51;
	v3 =	vmul.f32 v3, v52;
	v0 =	vadd.f32 v2, v0  }
0x184: {  	v54 =	vmul.f32 v62, v49;
	v55 =	vmul.f32 v63, v59;
	v2 =	vld.idx.msk [tilespmem:v7+s14+$0x40 ss:$0x1], $0xffff  }
0x185: {  	v62 =	vld.idx.msk [tilespmem:v4+s2+$0x4130 ss:$0x1], $0xffff;
	v0 =	vadd.f32 v0, v60  }
0x186: {  	v57 =	vld.idx.msk [tilespmem:v4+s26+$0x4140 ss:$0x1], $0xffff;
	v1 =	vadd.f32 v3, v1;
	v3 =	vadd.f32 v55, v54  }
0x187: {  	v54 =	vld.idx.msk [tilespmem:v8+s17+$0x60 ss:$0x1], $0xffff;
	[tilespmem:v4+s25+$0x1A140 ss:$0x1] =	vst.idx.msk $0xffff, v0  }
0x188: {  	v1 =	vadd.f32 v3, v1;
	v9 =	vmul.f32 v9, v45;
	v11 =	vmul.f32 v11, v46;
	v0 =	vld.idx.msk [tilespmem:v5+s16+$0x50 ss:$0x1], $0xffff  }
0x189: {  	v50 =	vmul.f32 v61, v48;
	v3 =	vld.idx.msk [tilespmem:v6+s20+$0x50 ss:$0x1], $0xffff;
	v2 =	vmul.f32 v2, v47  }
0x18a: {  	v55 =	vld.idx.msk [tilespmem:v7+s13+$0x50 ss:$0x1], $0xffff;
	v1 =	vadd.f32 v1, v62  }
0x18b: {  	v60 =	vld.idx.msk [tilespmem:v8+s10+$0x50 ss:$0x1], $0xffff;
	v9 =	vadd.f32 v11, v9;
	v2 =	vadd.f32 v50, v2  }
0x18c: {  	v63 =	vmul.f32 v58, v26;
	v58 =	vld.idx.msk [tilespmem:v4+s25+$0x4150 ss:$0x1], $0xffff;
	[tilespmem:v4+s2+$0x1A130 ss:$0x1] =	vst.idx.msk $0xffff, v1  }
0x18d: {  	v10 =	vmul.f32 v10, v29;
	v11 =	vmul.f32 v56, v28;
	v1 =	vld.idx.msk [tilespmem:v5+s0+$0x40 ss:$0x1], $0xffff;
	v2 =	vadd.f32 v2, v9  }
0x18e: {  	v56 =	vld.idx.msk [tilespmem:v7+s28+$0x40 ss:$0x1], $0xffff  }
0x18f: {  	v54 =	vmul.f32 v54, v27;
	v10 =	vadd.f32 v10, v11;
	v11 =	vld.idx.msk [tilespmem:v8+s29+$0x40 ss:$0x1], $0xffff;
	v2 =	vadd.f32 v2, v57  }
0x190: {  	v9 =	vld.idx.msk [tilespmem:v6+s5+$0x40 ss:$0x1], $0xffff;
	v0 =	vmul.f32 v0, v41;
	v3 =	vmul.f32 v3, v42  }
0x191: {  	v50 =	vadd.f32 v54, v63;
	v57 =	vld.idx.msk [tilespmem:v4+s1+$0x4160 ss:$0x1], $0xffff;
	[tilespmem:v4+s26+$0x1A140 ss:$0x1] =	vst.idx.msk $0xffff, v2  }
0x192: {  	v61 =	vmul.f32 v55, v43;
	v62 =	vmul.f32 v60, v44;
	v0 =	vadd.f32 v3, v0;
	v3 =	vld.idx.msk [tilespmem:v5+s12+$0x50 ss:$0x1], $0xffff  }
0x193: {  	v2 =	vadd.f32 v50, v10;
	v63 =	vld.idx.msk [tilespmem:v6+s18+$0x50 ss:$0x1], $0xffff  }
0x194: {  	v10 =	vadd.f32 v62, v61;
	v1 =	vmul.f32 v1, v51;
	v61 =	vmul.f32 v56, v49;
	v60 =	vld.idx.msk [tilespmem:v7+s14+$0x50 ss:$0x1], $0xffff  }
0x195: {  	v11 =	vmul.f32 v11, v59;
	v9 =	vmul.f32 v9, v52;
	v62 =	vld.idx.msk [tilespmem:v8+s15+$0x50 ss:$0x1], $0xffff  }
0x196: {  	v0 =	vadd.f32 v10, v0;
	v10 =	vld.idx.msk [tilespmem:v4+s2+$0x4140 ss:$0x1], $0xffff;
	v2 =	vadd.f32 v2, v57  }
0x197: {  	v53 =	vld.idx.msk [tilespmem:v5+s24+$0x70 ss:$0x1], $0xffff;
	v1 =	vadd.f32 v9, v1;
	v9 =	vadd.f32 v11, v61  }
0x198: {  	v55 =	vld.idx.msk [tilespmem:v7+s4+$0x70 ss:$0x1], $0xffff;
	v0 =	vadd.f32 v0, v58  }
0x199: {  	v11 =	vld.idx.msk [tilespmem:v6+s3+$0x70 ss:$0x1], $0xffff;
	[tilespmem:v4+s1+$0x1A160 ss:$0x1] =	vst.idx.msk $0xffff, v2;
	v1 =	vadd.f32 v9, v1  }
0x19a: {  	v61 =	vld.idx.msk [tilespmem:v4+s26+$0x4150 ss:$0x1], $0xffff;
	[tilespmem:v4+s25+$0x1A150 ss:$0x1] =	vst.idx.msk $0xffff, v0;
	v3 =	vmul.f32 v3, v45;
	v9 =	vmul.f32 v63, v46  }
0x19b: {  	v2 =	vld.idx.msk [tilespmem:v8+s6+$0x70 ss:$0x1], $0xffff;
	v63 =	vmul.f32 v60, v47;
	v60 =	vmul.f32 v62, v48;
	v1 =	vadd.f32 v1, v10  }
0x19c: {  	v10 =	vld.idx.msk [tilespmem:v5+s16+$0x60 ss:$0x1], $0xffff  }
0x19d: {  	v57 =	vld.idx.msk [tilespmem:v6+s20+$0x60 ss:$0x1], $0xffff;
	[tilespmem:v4+s2+$0x1A140 ss:$0x1] =	vst.idx.msk $0xffff, v1;
	v1 =	vadd.f32 v9, v3;
	v3 =	vadd.f32 v60, v63  }
0x19e: {  	v56 =	vld.idx.msk [tilespmem:v7+s13+$0x60 ss:$0x1], $0xffff  }
0x19f: {  	v9 =	vld.idx.msk [tilespmem:v5+s0+$0x50 ss:$0x1], $0xffff;
	v1 =	vadd.f32 v3, v1  }
0x1a0: {  	v62 =	vld.idx.msk [tilespmem:v6+s5+$0x50 ss:$0x1], $0xffff  }
0x1a1: {  	v58 =	vld.idx.msk [tilespmem:v8+s10+$0x60 ss:$0x1], $0xffff;
	v1 =	vadd.f32 v1, v61  }
0x1a2: {  	v54 =	vld.idx.msk [tilespmem:v8+s29+$0x50 ss:$0x1], $0xffff  }
0x1a3: {  	v3 =	vld.idx.msk [tilespmem:v7+s28+$0x50 ss:$0x1], $0xffff;
	[tilespmem:v4+s26+$0x1A150 ss:$0x1] =	vst.idx.msk $0xffff, v1  }
0x1a4: {  	v1 =	vld.idx.msk [tilespmem:v5+s12+$0x60 ss:$0x1], $0xffff  }
0x1a5: {  	v9 =	vmul.f32 v9, v51;
	v50 =	vmul.f32 v62, v52;
	v60 =	vld.idx.msk [tilespmem:v6+s18+$0x60 ss:$0x1], $0xffff  }
0x1a6: {  	v10 =	vmul.f32 v10, v41;
	v57 =	vmul.f32 v57, v42;
	v62 =	vld.idx.msk [tilespmem:v7+s14+$0x60 ss:$0x1], $0xffff  }
0x1a7: {  	v63 =	vmul.f32 v58, v44;
	v9 =	vadd.f32 v50, v9;
	v50 =	vmul.f32 v56, v43;
	v56 =	vld.idx.msk [tilespmem:v8+s15+$0x60 ss:$0x1], $0xffff  }
0x1a8: {  	v0 =	vld.idx.msk [tilespmem:v5+s23+$0x70 ss:$0x1], $0xffff;
	v54 =	vmul.f32 v54, v59;
	v3 =	vmul.f32 v3, v49  }
0x1a9: {  	v58 =	vld.idx.msk [tilespmem:v4+s25+$0x4160 ss:$0x1], $0xffff;
	v10 =	vadd.f32 v57, v10;
	v50 =	vadd.f32 v63, v50  }
0x1aa: {  	v61 =	vld.idx.msk [tilespmem:v4+s2+$0x4150 ss:$0x1], $0xffff;
	v3 =	vadd.f32 v54, v3  }
0x1ab: {  	v57 =	vld.idx.msk [tilespmem:v8+s17+$0x70 ss:$0x1], $0xffff;
	v10 =	vadd.f32 v50, v10;
	v1 =	vmul.f32 v1, v45;
	v50 =	vmul.f32 v60, v46  }
0x1ac: {  	v54 =	vld.idx.msk [tilespmem:v7+s11+$0x70 ss:$0x1], $0xffff;
	v60 =	vmul.f32 v62, v47;
	v56 =	vmul.f32 v56, v48  }
0x1ad: {  	v3 =	vadd.f32 v3, v9;
	v9 =	vld.idx.msk [tilespmem:v6+s8+$0x70 ss:$0x1], $0xffff  }
0x1ae: {  	v1 =	vadd.f32 v50, v1;
	v50 =	vadd.f32 v56, v60;
	v60 =	vld [tilespmem:$0x1FF90]  }
0x1af: {  	v62 =	vld.idx.msk [tilespmem:v4+s22+$0x4170 ss:$0x1], $0xffff;
	v3 =	vadd.f32 v3, v61  }
0x1b0: {  	v61 =	vld.idx.msk [tilespmem:v4+s7+$0x4170 ss:$0x1], $0xffff  }
0x1b1: {  	[tilespmem:v4+s2+$0x1A150 ss:$0x1] =	vst.idx.msk $0xffff, v3;
	v3 =	vld.idx.msk [tilespmem:v4+s26+$0x4160 ss:$0x1], $0xffff  }
0x1b2: {  	v10 =	vadd.f32 v10, v58;
	v58 =	vld.idx.msk [tilespmem:v5+s0+$0x60 ss:$0x1], $0xffff  }
0x1b3: {  	v25 =	vmul.f32 v25, v60;
	v60 =	vld [tilespmem:$0x1FFA0]  }
0x1b4: {  	v56 =	vld.idx.msk [tilespmem:v6+s5+$0x60 ss:$0x1], $0xffff  }
0x1b5: {  	v12 =	vmul.f32 v30, v12;
	v30 =	vld.idx.msk [tilespmem:v7+s28+$0x60 ss:$0x1], $0xffff  }
0x1b6: {  	[tilespmem:v4+s25+$0x1A160 ss:$0x1] =	vst.idx.msk $0xffff, v10;
	v10 =	vld.idx.msk [tilespmem:v8+s29+$0x60 ss:$0x1], $0xffff  }
0x1b7: {  	v16 =	vmul.f32 v39, v16;
	v39 =	vld.idx.msk [tilespmem:v4+s2+$0x4160 ss:$0x1], $0xffff  }
0x1b8: {  	v1 =	vadd.f32 v50, v1;
	v31 =	vmul.f32 v31, v60;
	v60 =	vld [tilespmem:$0x1FFB0]  }
0x1b9: {  	v50 =	vld.idx.msk [tilespmem:v5+s16+$0x70 ss:$0x1], $0xffff  }
0x1ba: {  	v14 =	vmul.f32 v33, v14;
	v1 =	vadd.f32 v1, v3;
	v3 =	vld.idx.msk [tilespmem:v7+s13+$0x70 ss:$0x1], $0xffff;
	v63 =	vmul.f32 v56, v52  }
0x1bb: {  	v30 =	vmul.f32 v30, v49;
	v10 =	vmul.f32 v10, v59;
	v56 =	vld [tilespmem:$0x1FFF0]  }
0x1bc: {  	v12 =	vadd.f32 v12, v25;
	v25 =	vld.idx.msk [tilespmem:v6+s20+$0x70 ss:$0x1], $0xffff;
	[tilespmem:v4+s26+$0x1A160 ss:$0x1] =	vst.idx.msk $0xffff, v1;
	v1 =	vmul.f32 v58, v51  }
0x1bd: {  	v13 =	vmul.f32 v35, v13;
	v58 =	vld.idx.msk [tilespmem:v4+s19+$0x4170 ss:$0x1], $0xffff;
	v32 =	vmul.f32 v32, v60  }
0x1be: {  	v10 =	vadd.f32 v10, v30;
	v1 =	vadd.f32 v63, v1;
	v60 =	vld [tilespmem:$0x1FFC0]  }
0x1bf: {  	v13 =	vadd.f32 v14, v13;
	v23 =	vmul.f32 v53, v23;
	v35 =	vld.idx.msk [tilespmem:v5+s12+$0x70 ss:$0x1], $0xffff;
	v31 =	vadd.f32 v32, v31  }
0x1c0: {  	v11 =	vmul.f32 v11, v24;
	v2 =	vmul.f32 v2, v22;
	v24 =	vld.idx.msk [tilespmem:v8+s15+$0x70 ss:$0x1], $0xffff;
	v1 =	vadd.f32 v10, v1  }
0x1c1: {  	v0 =	vmul.f32 v0, v28;
	v9 =	vmul.f32 v9, v29;
	v12 =	vadd.f32 v31, v12;
	v31 =	vld [tilespmem:$0x1FFD0]  }
0x1c2: {  	v11 =	vadd.f32 v11, v23;
	v33 =	vmul.f32 v54, v26;
	v1 =	vadd.f32 v1, v39;
	v32 =	vld.idx.msk [tilespmem:v8+s10+$0x70 ss:$0x1], $0xffff  }
0x1c3: {  	v0 =	vadd.f32 v9, v0;
	v63 =	vld.idx.msk [tilespmem:v7+s14+$0x70 ss:$0x1], $0xffff;
	v15 =	vmul.f32 v60, v15;
	v60 =	vmul.f32 v55, v21  }
0x1c4: {  	v9 =	vmul.f32 v50, v41;
	v10 =	vld.idx.msk [tilespmem:v4+s9+$0x4170 ss:$0x1], $0xffff;
	v53 =	vmul.f32 v25, v42;
	[tilespmem:v4+s2+$0x1A160 ss:$0x1] =	vst.idx.msk $0xffff, v1  }
0x1c5: {  	v3 =	vmul.f32 v3, v43;
	v39 =	vmul.f32 v57, v27;
	v1 =	vld.idx.msk [tilespmem:v5+s0+$0x70 ss:$0x1], $0xffff;
	v2 =	vadd.f32 v2, v60  }
0x1c6: {  	v9 =	vadd.f32 v53, v9;
	v15 =	vadd.f32 v16, v15;
	v14 =	vmul.f32 v31, v20;
	v20 =	vld.idx.msk [tilespmem:v6+s18+$0x70 ss:$0x1], $0xffff  }
0x1c7: {  	v12 =	vadd.f32 v12, v58;
	v54 =	vmul.f32 v32, v44;
	v2 =	vadd.f32 v2, v11;
	v11 =	vld.idx.msk [tilespmem:v6+s5+$0x70 ss:$0x1], $0xffff  }
0x1c8: {  	v13 =	vadd.f32 v13, v15;
	v15 =	vmul.f32 v40, v17;
	v17 =	vmul.f32 v56, v18;
	v31 =	vld.idx.msk [tilespmem:v7+s28+$0x70 ss:$0x1], $0xffff  }
0x1c9: {  	v16 =	vmul.f32 v63, v47;
	v40 =	vld.idx.msk [tilespmem:v8+s29+$0x70 ss:$0x1], $0xffff;
	v3 =	vadd.f32 v54, v3;
	v14 =	vadd.f32 v19, v14  }
0x1ca: {  	v56 =	vmul.f32 v24, v48;
	v15 =	vadd.f32 v17, v15;
	v10 =	vadd.f32 v13, v10  }
0x1cb: {  	v55 =	vmul.f32 v35, v45;
	v2 =	vadd.f32 v2, v62;
	v3 =	vadd.f32 v3, v9  }
0x1cc: {  	v57 =	vld.idx.msk [tilespmem:v4+s1+$0x4170 ss:$0x1], $0xffff;
	v1 =	vmul.f32 v1, v51;
	v16 =	vadd.f32 v56, v16;
	v14 =	vadd.f32 v15, v14  }
0x1cd: {  	v58 =	vld.idx.msk [tilespmem:v4+s25+$0x4170 ss:$0x1], $0xffff;
	v15 =	vadd.f32 v39, v33;
	v20 =	vmul.f32 v20, v46;
	v11 =	vmul.f32 v11, v52  }
0x1ce: {  	v63 =	vld.idx.msk [tilespmem:v4+s2+$0x4170 ss:$0x1], $0xffff;
	v9 =	vmul.f32 v31, v49;
	v60 =	vmul.f32 v40, v59;
	v30 =	vadd.f32 v14, v61  }
0x1cf: {  	v0 =	vadd.f32 v15, v0;
	v61 =	vld.idx.msk [tilespmem:v4+s26+$0x4170 ss:$0x1], $0xffff;
	v62 =	vadd.f32 v20, v55  }
0x1d0: {  	v1 =	vadd.f32 v11, v1;
	v9 =	vadd.f32 v60, v9  }
0x1d1: {  	[tilespmem:v4+s19+$0x1A170 ss:$0x1] =	vst.idx.msk $0xffff, v12;
	v0 =	vadd.f32 v0, v57  }
0x1d2: {  	[tilespmem:v4+s9+$0x1A170 ss:$0x1] =	vst.idx.msk $0xffff, v10;
	v10 =	vadd.f32 v16, v62;
	v1 =	vadd.f32 v9, v1  }
0x1d3: {  	p0 =	slt.u32 s21, $0x38;
	[tilespmem:v4+s22+$0x1A170 ss:$0x1] =	vst.idx.msk $0xffff, v2;
	v2 =	vadd.f32 v3, v58  }
.Ltmp0:
0x1d4: {  	[tilespmem:v4+s1+$0x1A170 ss:$0x1] =	vst.idx.msk $0xffff, v0;
	v0 =	vadd.f32 v10, v61;
	v1 =	vadd.f32 v1, v63;
	(pc) =	sbr.rel @p0 .LBB2_3-.Ltmp0, $4  }
0x1d5: {  	[tilespmem:v4+s25+$0x1A170 ss:$0x1] =	vst.idx.msk $0xffff, v2  }
0x1d6: {  	s4 =	rddreg [dreg:$0x19];
	[tilespmem:v4+s7+$0x1A170 ss:$0x1] =	vst.idx.msk $0xffff, v30  }
0x1d7: {  	s30 =	sadd.s32 $0x8, s21;
	s28 =	rddreg [dreg:$0x17];
	[tilespmem:v4+s26+$0x1A170 ss:$0x1] =	vst.idx.msk $0xffff, v0  }
0x1d8: {  	s21 =	smov.u32 s30;
	s29 =	rddreg [dreg:$0x18];
	v3 =	vmovc v37;
	v2 =	vmov v34;
	[tilespmem:v4+s2+$0x1A170 ss:$0x1] =	vst.idx.msk $0xffff, v1;
	v0 =	vmov v36;
	v1 =	vmov v38  }
0x1d9: {  	s5 =	rddreg [dreg:$0x1a]  }
0x1da: {  	s1 =	rddreg [dreg:$0xa]  }
0x1db: {  	s26 =	rddreg [dreg:$0x1d]  }
0x1dc: {  	s30 =	sld [smem:$0x7FC];
	s0 =	sshll.u32 s5, $0xD  }
0x1dd: {  	s2 =	rddreg [dreg:$0x3];
	s0 =	sadd.s32 s1, s0  }
0x1de: {  	s3 =	simm.s32 $0x0;
	p0 =	sgt.u32 s5, $0xD;
	s0 =	sshrl.u32 s0, $0x3  }
0x1df: {  	s1 =	sadd.s32 $0x3, s26;
	s0 =	sadd.s32 s2, s0;
	s2 =	sadd.s32 $0x1A100, s30  }
0x1e0: {  	[hbm4b:s0+s3] =	stream.linear.scatter [tilespmem:s2], [sflag:s1], $0x2000, $0x38;
	[tilespmem:$0x1E100] =	vst v63  }
0x1e1: {  	s0 =	sshll.u32 @!p0 s5, $0x6;
	s1 =	rddreg [dreg:$0x10]  }
0x1e2: {  	s0 =	sadd.s32 @!p0 s0, s1  }
0x1e3: {  	s2 =	rddreg [dreg:$0x7];
	s1 =	sshll.u32 @!p0 s0, $0x7  }
0x1e4: {  	s7 =	sld [smem:$0x7FA];
	s1 =	sadd.s32 @!p0 s2, s1  }
0x1e5: {  	s2 =	rddreg [dreg:$0x0];
	s1 =	sshrl.u32 @!p0 s1, $0x3  }
0x1e6: {  	s6 =	rddreg [dreg:$0x1b];
	s3 =	simm.s32 @!p0 $0x0;
	s2 =	sadd.s32 @!p0 s2, s1  }
0x1e7: {  	[tilespmem:s7], [sflag:s6] =	stream.linear.gather @!p0 [hbm4b:s2+s3], $0x2000, $0x38;
	[tilespmem:$0x1E100] =	vst v63  }
0x1e8: {  	s2 =	rddreg [dreg:$0x5]  }
0x1e9: {  	s1 =	sadd.s32 @!p0 s2, s1;
	s2 =	sld [smem:$0x7FD];
	_ =	sdelay $0x2  }
0x1ea: {  	[tilespmem:s2], [sflag:s6] =	stream.linear.gather @!p0 [hbm4b:s1+s3], $0x2000, $0x38;
	[tilespmem:$0x1E100] =	vst v63  }
0x1eb: {  	s1 =	rddreg [dreg:$0x13]  }
0x1ec: {  	s1 =	sadd.s32 @!p0 s1, s0  }
0x1ed: {  	s7 =	sld [smem:$0x7FB];
	s1 =	sshll.u32 @!p0 s1, $0x4  }
0x1ee: {  	s2 =	rddreg [dreg:$0x2];
	s1 =	sand.u32 @!p0 $0xFFFFF80, s1  }
0x1ef: {  	s1 =	sadd.s32 @!p0 s2, s1  }
0x1f0: {  	[tilespmem:s7], [sflag:s6] =	stream.linear.gather @!p0 [hbm4b:s1+s3], $0x2400, $0x38;
	[tilespmem:$0x1E100] =	vst v63  }
0x1f1: {  	s1 =	rddreg [dreg:$0x14]  }
0x1f2: {  	s1 =	sadd.s32 @!p0 s1, s0  }
0x1f3: {  	s1 =	sshll.u32 @!p0 s1, $0x4  }
0x1f4: {  	s1 =	sand.u32 @!p0 $0xFFFFF80, s1  }
0x1f5: {  	s7 =	rddreg [dreg:$0x1f];
	s1 =	sadd.s32 @!p0 s2, s1  }
0x1f6: {  	[tilespmem:s7], [sflag:s6] =	stream.linear.gather @!p0 [hbm4b:s1+s3], $0x2400, $0x38;
	[tilespmem:$0x1E100] =	vst v63  }
0x1f7: {  	s1 =	rddreg [dreg:$0x15]  }
0x1f8: {  	s1 =	sadd.s32 @!p0 s1, s0  }
0x1f9: {  	s1 =	sshll.u32 @!p0 s1, $0x4  }
0x1fa: {  	s1 =	sand.u32 @!p0 $0xFFFFF80, s1  }
0x1fb: {  	s7 =	rddreg [dreg:$0x1e];
	s1 =	sadd.s32 @!p0 s2, s1  }
0x1fc: {  	[tilespmem:s7], [sflag:s6] =	stream.linear.gather @!p0 [hbm4b:s1+s3], $0x2400, $0x38;
	[tilespmem:$0x1E100] =	vst v63  }
0x1fd: {  	s1 =	rddreg [dreg:$0x16]  }
0x1fe: {  	s0 =	sadd.s32 @!p0 s1, s0  }
0x1ff: {  	s0 =	sshll.u32 @!p0 s0, $0x4  }
0x200: {  	s0 =	sand.u32 @!p0 $0xFFFFF80, s0  }
0x201: {  	s5 =	sadd.s32 $0x1, s5;
	s1 =	rddreg [dreg:$0x1c];
	s0 =	sadd.s32 @!p0 s2, s0  }
0x202: {  	[tilespmem:s1], [sflag:s6] =	stream.linear.gather @!p0 [hbm4b:s0+s3], $0x2400, $0x38;
	[tilespmem:$0x1E100] =	vst v63  }
0x203: {  	p0 =	sne.s32 s5, $0x10  }
.Ltmp1:
0x204: {  	_ = 	snop;
	(pc) =	sbr.rel @p0 .LBB2_2-.Ltmp1, $1  }
0x205: {  	_ =	sdelay $0x3  }
0x206: {  	s0 =	simm.s32 $0x3  }
0x207: {  	_ =	swait.ge [sflag:s0], $0x2000  }
0x208: {  	[sflag:s0] =	ssyncset.done $0x0  }
0x209: {  	s1 =	simm.s32 $0x4;
	[sflag:s0] =	ssyncadd.s32 $0xFFFFE000  }
0x20a: {  	_ =	swait.ge [sflag:s1], $0x2000  }
0x20b: {  	s2 =	rddreg [dreg:$0x12]  }
0x20c: {  	s31 =	rddreg [dreg:$0x11];
	s2 =	sadd.s32 $0x1, s2  }
0x20d: {  	p0 =	sne.s32 s2, s31  }
.Ltmp2:
0x20e: {  	_ = 	snop;
	(pc) =	sbr.rel @p0 .LBB2_1-.Ltmp2, $3  }
0x20f: {  	_ =	sdelay $0x1  }
0x210: {  	[sflag:s1] =	ssyncset.done $0x0  }
0x211: {  	[sflag:s1] =	ssyncadd.s32 $0xFFFFE000  }
0x212: {  	_ =	sfence.sel $0x180000  }
0x213: {  	[bflag:$0x0] =	sbarrier.arrive $0xFFFF  }
0x214: {  	_ =	strace $0x90000047  }
0x215: {  	s0 =	stileid.u32;
	[bflag:$0x2] =	sbarrier.arrive $0xFFFF  }
0x216: {  	p0 =	sne.s32 s0, $0x0;
	s0 =	rddreg [dreg:$0x4]  }
0x217: {  	s0 =	sadd.s32 @!p0 $0x100000, s0  }
0x218: {  	[sflag:s0] =	ssyncadd.tile.s32 @!p0 $0x1;
	_ =	shalt  }
.Lfunc_end2:
_tile_overlayer_lowered:
.L_overlay_start_2:
0x219: {  	(tag) =	ssettag $0x2  }
0x21a: {  	s0 =	rddreg [dreg:$0x0];
	s2 =	stileid.u32  }
0x21b: {  	s1 =	rddreg [dreg:$0x1];
	p0 =	sne.s32 s2, $0x0  }
0x21c: {  	s3 =	rddreg [dreg:$0x2];
	[bflag:$0x3] =	sbarrier.arrive $0xFFFF;
	s2 =	simm.s32 @!p0 $0x1C05  }
0x21d: {  	[timem:s3], [sflag:s2] =	dma.local @!p0 [hbm:s0], s1  }
0x21e: {  	s0 =	simm.s32 @!p0 $0x5  }
0x21f: {  	_ =	swait.ge @!p0 [sflag:s0], s1  }
0x220: {  	s1 =	ssub.s32 @!p0 $0x0, s1;
	[sflag:s0] =	ssyncset.done @!p0 $0x0  }
0x221: {  	[sflag:s0] =	ssyncadd.s32 @!p0 s1  }
0x222: {  	[bflag:$0x3] =	sbarrier.arrive $0xFFFF  }
0x223: {  	_ =	shalt  }

</sc_bundles>
